<compile_context>
chip_gen: v7x
topology: tpu7x:2x2x1
jax: 0.10.2.dev20260603
libtpu: 0.0.44.dev20260713+nightly
codegen_flags: <defaults>
</compile_context>

<pallas_src>
import functools

import jax
import jax.numpy as jnp
from jax import lax
from jax.experimental import pallas as pl
from jax.experimental.pallas import tpu as pltpu
from jax.experimental.pallas import tpu_sc as plsc

_NUM_EMB = 1024
_D = 256
_CC = 0.25
_BLK = 2048

_NC = 2
_NS = 16
_NW = _NC * _NS


def _vq_body(flat_ref, w_ref, idx_ref, loss_ref, perp_ref,
             wsq_ref, counts_ref, sumsq_ref):
    step = pl.program_id(0)
    nsteps = pl.num_programs(0)
    flat = flat_ref[...]
    w = w_ref[...]

    @pl.when(step == 0)
    def _init():
        wsq_ref[...] = jnp.sum(w * w, axis=1).reshape(1, _NUM_EMB)
        counts_ref[...] = jnp.zeros_like(counts_ref)
        sumsq_ref[0] = 0.0

    flat_sq = jnp.sum(flat * flat, axis=1, keepdims=True)
    mm2 = jax.lax.dot_general(-2.0 * flat, w, (((1,), (1,)), ((), ())),
                              preferred_element_type=jnp.float32)
    dist = (flat_sq + wsq_ref[...]) + mm2

    minval = jnp.min(dist, axis=1, keepdims=True)
    iota = jax.lax.broadcasted_iota(jnp.int32, (_BLK, _NUM_EMB), 1)
    idx = jnp.min(jnp.where(dist == minval, iota, _NUM_EMB), axis=1)

    idx_ref[...] = idx.reshape(idx_ref.shape)

    onehot = (iota == idx[:, None]).astype(jnp.bfloat16)
    counts_ref[...] += jnp.dot(jnp.ones((8, _BLK), jnp.bfloat16), onehot,
                               preferred_element_type=jnp.float32)
    sumsq_ref[0] += jnp.sum(minval)

    @pl.when(step == nsteps - 1)
    def _fin():
        n_rows = nsteps * _BLK
        m = sumsq_ref[0] / (n_rows * _D)
        loss_ref[...] = jnp.full((1, 1), m + _CC * m, jnp.float32)
        avg = counts_ref[0:1, :] / n_rows
        perp = jnp.exp(-jnp.sum(avg * jnp.log(avg + 1e-10)))
        perp_ref[...] = jnp.full((1, 1), perp, jnp.float32)


def _tc_part(flat, W):
    n = flat.shape[0]
    grid = n // _BLK
    return pl.pallas_call(
        _vq_body,
        grid=(grid,),
        in_specs=[
            pl.BlockSpec((_BLK, _D), lambda i: (i, 0)),
            pl.BlockSpec((_NUM_EMB, _D), lambda i: (0, 0)),
        ],
        out_specs=[
            pl.BlockSpec((_BLK // 128, 128), lambda i: (i, 0)),
            pl.BlockSpec((1, 1), lambda i: (0, 0)),
            pl.BlockSpec((1, 1), lambda i: (0, 0)),
        ],
        out_shape=[
            jax.ShapeDtypeStruct((n // 128, 128), jnp.int32),
            jax.ShapeDtypeStruct((1, 1), jnp.float32),
            jax.ShapeDtypeStruct((1, 1), jnp.float32),
        ],
        scratch_shapes=[
            pltpu.VMEM((1, _NUM_EMB), jnp.float32),
            pltpu.VMEM((8, _NUM_EMB), jnp.float32),
            pltpu.SMEM((1,), jnp.float32),
        ],
    )(flat, W)


def _sc_gather(table, idx):
    b = idx.shape[0]
    bpw = b // _NW
    ch = 160
    nch = bpw // ch
    mesh = plsc.VectorSubcoreMesh(core_axis_name="c", subcore_axis_name="s",
                                  num_cores=_NC, num_subcores=_NS)

    @functools.partial(
        pl.kernel, mesh=mesh,
        out_type=jax.ShapeDtypeStruct((b, _D), jnp.float32),
        scratch_types=[
            pltpu.VMEM((bpw,), jnp.int32),
            pltpu.VMEM((ch, _D), jnp.float32),
            pltpu.VMEM((ch, _D), jnp.float32),
            pltpu.SemaphoreType.DMA,
            pltpu.SemaphoreType.DMA,
        ],
    )
    def k(table_hbm, idx_hbm, out_hbm, idx_v, rows_a, rows_b, sem_a, sem_b):
        wid = lax.axis_index("s") * _NC + lax.axis_index("c")
        base = wid * bpw
        pltpu.sync_copy(idx_hbm.at[pl.ds(base, bpw)], idx_v)
        bufs = ((rows_a, sem_a), (rows_b, sem_b))
        pending = pltpu.async_copy(
            table_hbm.at[idx_v.at[pl.ds(0, ch)]], rows_a, sem_a)
        for c in range(nch):
            rows, _ = bufs[c % 2]
            nxt = None
            if c + 1 < nch:
                nrows, nsem = bufs[(c + 1) % 2]
                nxt = pltpu.async_copy(
                    table_hbm.at[idx_v.at[pl.ds((c + 1) * ch, ch)]],
                    nrows, nsem)
            pending.wait()
            pltpu.sync_copy(rows, out_hbm.at[pl.ds(base + c * ch, ch)])
            pending = nxt

    return k(table, idx)


def kernel(inputs, W):
    input_shape = inputs.shape
    flat = inputs.reshape(-1, _D)

    idx2d, loss, perp = _tc_part(flat, W)
    q = _sc_gather(W, idx2d.reshape(-1))

    quantized = q.reshape(input_shape[0], -1)
    encoding_indices = idx2d.reshape(input_shape[0], -1)
    return (loss[0, 0], quantized, perp[0, 0], encoding_indices)

# --- scband reference (transcript-rebuilt; emitter-appended) ---
"""Pipeline reference for scband-split-quantizer-58119497449526 (READ-ONLY COPY).

The authoritative reference and input builder live on the scoring server;
editing this copy changes nothing except your own understanding.
"""

import jax, jax.numpy as jnp
import numpy as np

NUM_EMB = 1024
SPLIT = 10
D_SPLIT = 256
CC = 0.25


def setup_inputs(seed: int = 0) -> dict:
    key = jax.random.key(seed)
    k1, k2 = jax.random.split(key)
    inputs = jax.random.normal(k1, (4096, 2560), dtype=jnp.float32)
    W = jax.random.uniform(k2, (NUM_EMB, D_SPLIT), minval=-1.0 / NUM_EMB, maxval=1.0 / NUM_EMB, dtype=jnp.float32)
    return {"inputs": inputs, "W": W}


def reference(inputs, W):
    input_shape = inputs.shape
    flat = inputs.reshape(-1, D_SPLIT)
    distances = (jnp.sum(flat ** 2, axis=1, keepdims=True)
                 + jnp.sum(W ** 2, axis=1)
                 - 2.0 * jnp.matmul(flat, W.T))
    encoding_indices = jnp.argmin(distances, axis=1)
    encodings = jax.nn.one_hot(encoding_indices, NUM_EMB, dtype=jnp.float32)
    quantized = jnp.matmul(encodings, W)
    e_latent_loss = jnp.mean((jax.lax.stop_gradient(quantized) - flat) ** 2)
    q_latent_loss = jnp.mean((quantized - jax.lax.stop_gradient(flat)) ** 2)
    loss = q_latent_loss + CC * e_latent_loss
    quantized = flat + jax.lax.stop_gradient(quantized - flat)
    avg_probs = jnp.mean(encodings, axis=0)
    perplexity = jnp.exp(-jnp.sum(avg_probs * jnp.log(avg_probs + 1e-10)))
    quantized = quantized.reshape(input_shape[0], -1)
    encoding_indices = encoding_indices.reshape(input_shape[0], -1)
    return (loss, quantized, perplexity, encoding_indices)

if __name__ == "__main__":
    import jax
    _d = setup_inputs()
    print(jax.jit(kernel)(*tuple(_d.values())))

</pallas_src>

<mosaic_0001>
#map = affine_map<(d0, d1) -> (0, 0)>
#map1 = affine_map<(d0, d1) -> (0)>
module attributes {stable_mosaic.version = 14 : i64} {
  func.func @k(%arg0: i32, %arg1: i32, %arg2: memref<1024x256xf32, #tpu.memory_space<hbm>>, %arg3: memref<40960xi32, #tpu.memory_space<hbm>>, %arg4: memref<40960x256xf32, #tpu.memory_space<hbm>>, %arg5: memref<1280xi32, #tpu.memory_space<vmem>>, %arg6: memref<160x256xf32, #tpu.memory_space<vmem>>, %arg7: memref<160x256xf32, #tpu.memory_space<vmem>>, %arg8: memref<!tpu.dma_semaphore, #tpu.memory_space<semaphore_mem>>, %arg9: memref<!tpu.dma_semaphore, #tpu.memory_space<semaphore_mem>>) attributes {dimension_semantics = [#tpu.dimension_semantics<core_parallel>, #tpu.dimension_semantics<subcore_parallel>], iteration_bounds = array<i64: 2, 16>, scalar_prefetch = 0 : i64, scratch_operands = 5 : i64, tpu.core_type = #tpu.core_type<sc_vector_subcore>, window_params = [{transform_indices = #map}, {transform_indices = #map1}, {transform_indices = #map}]} {
    %mul3A = arith.constant 2 : i32
    %mul3A_0 = arith.muli %arg1, %mul3A : i32
    %add3A = arith.addi %mul3A_0, %arg0 : i32
    %mul3A_1 = arith.constant 1280 : i32
    %mul3A_2 = arith.muli %add3A, %mul3A_1 : i32
    "tpu.region"() ({
      %run_scoped3A = tpu.sem_alloc : memref<!tpu.dma_semaphore, #tpu.memory_space<semaphore_mem>>
      %dma_start3A_97 = tpu.memref_slice %arg3[%mul3A_2] : memref<40960xi32, #tpu.memory_space<hbm>> -> memref<1280xi32, #tpu.memory_space<hbm>>
      %dma_start3A_98 = tpu.memref_slice %arg3[%mul3A_2] : memref<40960xi32, #tpu.memory_space<hbm>> -> memref<1280xi32, #tpu.memory_space<hbm>>
      tpu.enqueue_dma source(%dma_start3A_98 : memref<1280xi32, #tpu.memory_space<hbm>>) target(%arg5 : memref<1280xi32, #tpu.memory_space<vmem>>) target_semaphore(%run_scoped3A : memref<!tpu.dma_semaphore, #tpu.memory_space<semaphore_mem>>)
      %dma_wait3A_99 = tpu.memref_slice %arg3[%mul3A_2] : memref<40960xi32, #tpu.memory_space<hbm>> -> memref<1280xi32, #tpu.memory_space<hbm>>
      %dma_wait3A_100 = tpu.memref_slice %arg3[%mul3A_2] : memref<40960xi32, #tpu.memory_space<hbm>> -> memref<1280xi32, #tpu.memory_space<hbm>>
      tpu.wait_dma2 semaphore(%run_scoped3A : memref<!tpu.dma_semaphore, #tpu.memory_space<semaphore_mem>>) src(%dma_wait3A_100 : memref<1280xi32, #tpu.memory_space<hbm>>) dst(%arg5 : memref<1280xi32, #tpu.memory_space<vmem>>)
      tpu.yield
    }) : () -> ()
    %dma_start3A = arith.constant 0 : i32
    %dma_start3A_3 = tpu.memref_slice %arg5[%dma_start3A] : memref<1280xi32, #tpu.memory_space<vmem>> -> memref<160xi32, #tpu.memory_space<vmem>>
    %dma_start3A_4 = arith.constant 0 : i32
    %dma_start3A_5 = arith.constant 0 : i32
    %dma_start3A_6 = tpu.memref_slice %arg2[%dma_start3A_4, %dma_start3A_5] : memref<1024x256xf32, #tpu.memory_space<hbm>> -> memref<1024x256xf32, #tpu.memory_space<hbm>>
    tpu.enqueue_indirect_dma source(%dma_start3A_6 : memref<1024x256xf32, #tpu.memory_space<hbm>>) target(%arg6 : memref<160x256xf32, #tpu.memory_space<vmem>>) offsets(%dma_start3A_3 : memref<160xi32, #tpu.memory_space<vmem>>) semaphore(%arg8 : memref<!tpu.dma_semaphore, #tpu.memory_space<semaphore_mem>>)
    %dma_start3A_7 = arith.constant 160 : i32
    %dma_start3A_8 = tpu.memref_slice %arg5[%dma_start3A_7] : memref<1280xi32, #tpu.memory_space<vmem>> -> memref<160xi32, #tpu.memory_space<vmem>>
    %dma_start3A_9 = arith.constant 0 : i32
    %dma_start3A_10 = arith.constant 0 : i32
    %dma_start3A_11 = tpu.memref_slice %arg2[%dma_start3A_9, %dma_start3A_10] : memref<1024x256xf32, #tpu.memory_space<hbm>> -> memref<1024x256xf32, #tpu.memory_space<hbm>>
    tpu.enqueue_indirect_dma source(%dma_start3A_11 : memref<1024x256xf32, #tpu.memory_space<hbm>>) target(%arg7 : memref<160x256xf32, #tpu.memory_space<vmem>>) offsets(%dma_start3A_8 : memref<160xi32, #tpu.memory_space<vmem>>) semaphore(%arg9 : memref<!tpu.dma_semaphore, #tpu.memory_space<semaphore_mem>>)
    %dma_wait3A = arith.constant 0 : i32
    %dma_wait3A_12 = tpu.memref_slice %arg5[%dma_wait3A] : memref<1280xi32, #tpu.memory_space<vmem>> -> memref<160xi32, #tpu.memory_space<vmem>>
    %dma_wait3A_13 = arith.constant 0 : i32
    %dma_wait3A_14 = arith.constant 0 : i32
    %dma_wait3A_15 = tpu.memref_slice %arg2[%dma_wait3A_13, %dma_wait3A_14] : memref<1024x256xf32, #tpu.memory_space<hbm>> -> memref<1024x256xf32, #tpu.memory_space<hbm>>
    tpu.wait_indirect_dma semaphore(%arg8 : memref<!tpu.dma_semaphore, #tpu.memory_space<semaphore_mem>>) src(%dma_wait3A_15 : memref<1024x256xf32, #tpu.memory_space<hbm>>) dst(%arg6 : memref<160x256xf32, #tpu.memory_space<vmem>>)
    %add3A_16 = arith.constant 0 : i32
    %add3A_17 = arith.addi %mul3A_2, %add3A_16 : i32
    "tpu.region"() ({
      %run_scoped3A = tpu.sem_alloc : memref<!tpu.dma_semaphore, #tpu.memory_space<semaphore_mem>>
      %dma_start3A_97 = arith.constant 0 : i32
      %dma_start3A_98 = tpu.memref_slice %arg4[%add3A_17, %dma_start3A_97] : memref<40960x256xf32, #tpu.memory_space<hbm>> -> memref<160x256xf32, #tpu.memory_space<hbm>>
      %dma_start3A_99 = arith.constant 0 : i32
      %dma_start3A_100 = tpu.memref_slice %arg4[%add3A_17, %dma_start3A_99] : memref<40960x256xf32, #tpu.memory_space<hbm>> -> memref<160x256xf32, #tpu.memory_space<hbm>>
      tpu.enqueue_dma source(%arg6 : memref<160x256xf32, #tpu.memory_space<vmem>>) target(%dma_start3A_100 : memref<160x256xf32, #tpu.memory_space<hbm>>) target_semaphore(%run_scoped3A : memref<!tpu.dma_semaphore, #tpu.memory_space<semaphore_mem>>)
      %dma_wait3A_101 = arith.constant 0 : i32
      %dma_wait3A_102 = tpu.memref_slice %arg4[%add3A_17, %dma_wait3A_101] : memref<40960x256xf32, #tpu.memory_space<hbm>> -> memref<160x256xf32, #tpu.memory_space<hbm>>
      %dma_wait3A_103 = arith.constant 0 : i32
      %dma_wait3A_104 = tpu.memref_slice %arg4[%add3A_17, %dma_wait3A_103] : memref<40960x256xf32, #tpu.memory_space<hbm>> -> memref<160x256xf32, #tpu.memory_space<hbm>>
      tpu.wait_dma2 semaphore(%run_scoped3A : memref<!tpu.dma_semaphore, #tpu.memory_space<semaphore_mem>>) src(%arg6 : memref<160x256xf32, #tpu.memory_space<vmem>>) dst(%dma_wait3A_104 : memref<160x256xf32, #tpu.memory_space<hbm>>)
      tpu.yield
    }) : () -> ()
    %dma_start3A_18 = arith.constant 320 : i32
    %dma_start3A_19 = tpu.memref_slice %arg5[%dma_start3A_18] : memref<1280xi32, #tpu.memory_space<vmem>> -> memref<160xi32, #tpu.memory_space<vmem>>
    %dma_start3A_20 = arith.constant 0 : i32
    %dma_start3A_21 = arith.constant 0 : i32
    %dma_start3A_22 = tpu.memref_slice %arg2[%dma_start3A_20, %dma_start3A_21] : memref<1024x256xf32, #tpu.memory_space<hbm>> -> memref<1024x256xf32, #tpu.memory_space<hbm>>
    tpu.enqueue_indirect_dma source(%dma_start3A_22 : memref<1024x256xf32, #tpu.memory_space<hbm>>) target(%arg6 : memref<160x256xf32, #tpu.memory_space<vmem>>) offsets(%dma_start3A_19 : memref<160xi32, #tpu.memory_space<vmem>>) semaphore(%arg8 : memref<!tpu.dma_semaphore, #tpu.memory_space<semaphore_mem>>)
    %dma_wait3A_23 = arith.constant 160 : i32
    %dma_wait3A_24 = tpu.memref_slice %arg5[%dma_wait3A_23] : memref<1280xi32, #tpu.memory_space<vmem>> -> memref<160xi32, #tpu.memory_space<vmem>>
    %dma_wait3A_25 = arith.constant 0 : i32
    %dma_wait3A_26 = arith.constant 0 : i32
    %dma_wait3A_27 = tpu.memref_slice %arg2[%dma_wait3A_25, %dma_wait3A_26] : memref<1024x256xf32, #tpu.memory_space<hbm>> -> memref<1024x256xf32, #tpu.memory_space<hbm>>
    tpu.wait_indirect_dma semaphore(%arg9 : memref<!tpu.dma_semaphore, #tpu.memory_space<semaphore_mem>>) src(%dma_wait3A_27 : memref<1024x256xf32, #tpu.memory_space<hbm>>) dst(%arg7 : memref<160x256xf32, #tpu.memory_space<vmem>>)
    %add3A_28 = arith.constant 160 : i32
    %add3A_29 = arith.addi %mul3A_2, %add3A_28 : i32
    "tpu.region"() ({
      %run_scoped3A = tpu.sem_alloc : memref<!tpu.dma_semaphore, #tpu.memory_space<semaphore_mem>>
      %dma_start3A_97 = arith.constant 0 : i32
      %dma_start3A_98 = tpu.memref_slice %arg4[%add3A_29, %dma_start3A_97] : memref<40960x256xf32, #tpu.memory_space<hbm>> -> memref<160x256xf32, #tpu.memory_space<hbm>>
      %dma_start3A_99 = arith.constant 0 : i32
      %dma_start3A_100 = tpu.memref_slice %arg4[%add3A_29, %dma_start3A_99] : memref<40960x256xf32, #tpu.memory_space<hbm>> -> memref<160x256xf32, #tpu.memory_space<hbm>>
      tpu.enqueue_dma source(%arg7 : memref<160x256xf32, #tpu.memory_space<vmem>>) target(%dma_start3A_100 : memref<160x256xf32, #tpu.memory_space<hbm>>) target_semaphore(%run_scoped3A : memref<!tpu.dma_semaphore, #tpu.memory_space<semaphore_mem>>)
      %dma_wait3A_101 = arith.constant 0 : i32
      %dma_wait3A_102 = tpu.memref_slice %arg4[%add3A_29, %dma_wait3A_101] : memref<40960x256xf32, #tpu.memory_space<hbm>> -> memref<160x256xf32, #tpu.memory_space<hbm>>
      %dma_wait3A_103 = arith.constant 0 : i32
      %dma_wait3A_104 = tpu.memref_slice %arg4[%add3A_29, %dma_wait3A_103] : memref<40960x256xf32, #tpu.memory_space<hbm>> -> memref<160x256xf32, #tpu.memory_space<hbm>>
      tpu.wait_dma2 semaphore(%run_scoped3A : memref<!tpu.dma_semaphore, #tpu.memory_space<semaphore_mem>>) src(%arg7 : memref<160x256xf32, #tpu.memory_space<vmem>>) dst(%dma_wait3A_104 : memref<160x256xf32, #tpu.memory_space<hbm>>)
      tpu.yield
    }) : () -> ()
    %dma_start3A_30 = arith.constant 480 : i32
    %dma_start3A_31 = tpu.memref_slice %arg5[%dma_start3A_30] : memref<1280xi32, #tpu.memory_space<vmem>> -> memref<160xi32, #tpu.memory_space<vmem>>
    %dma_start3A_32 = arith.constant 0 : i32
    %dma_start3A_33 = arith.constant 0 : i32
    %dma_start3A_34 = tpu.memref_slice %arg2[%dma_start3A_32, %dma_start3A_33] : memref<1024x256xf32, #tpu.memory_space<hbm>> -> memref<1024x256xf32, #tpu.memory_space<hbm>>
    tpu.enqueue_indirect_dma source(%dma_start3A_34 : memref<1024x256xf32, #tpu.memory_space<hbm>>) target(%arg7 : memref<160x256xf32, #tpu.memory_space<vmem>>) offsets(%dma_start3A_31 : memref<160xi32, #tpu.memory_space<vmem>>) semaphore(%arg9 : memref<!tpu.dma_semaphore, #tpu.memory_space<semaphore_mem>>)
    %dma_wait3A_35 = arith.constant 320 : i32
    %dma_wait3A_36 = tpu.memref_slice %arg5[%dma_wait3A_35] : memref<1280xi32, #tpu.memory_space<vmem>> -> memref<160xi32, #tpu.memory_space<vmem>>
    %dma_wait3A_37 = arith.constant 0 : i32
    %dma_wait3A_38 = arith.constant 0 : i32
    %dma_wait3A_39 = tpu.memref_slice %arg2[%dma_wait3A_37, %dma_wait3A_38] : memref<1024x256xf32, #tpu.memory_space<hbm>> -> memref<1024x256xf32, #tpu.memory_space<hbm>>
    tpu.wait_indirect_dma semaphore(%arg8 : memref<!tpu.dma_semaphore, #tpu.memory_space<semaphore_mem>>) src(%dma_wait3A_39 : memref<1024x256xf32, #tpu.memory_space<hbm>>) dst(%arg6 : memref<160x256xf32, #tpu.memory_space<vmem>>)
    %add3A_40 = arith.constant 320 : i32
    %add3A_41 = arith.addi %mul3A_2, %add3A_40 : i32
    "tpu.region"() ({
      %run_scoped3A = tpu.sem_alloc : memref<!tpu.dma_semaphore, #tpu.memory_space<semaphore_mem>>
      %dma_start3A_97 = arith.constant 0 : i32
      %dma_start3A_98 = tpu.memref_slice %arg4[%add3A_41, %dma_start3A_97] : memref<40960x256xf32, #tpu.memory_space<hbm>> -> memref<160x256xf32, #tpu.memory_space<hbm>>
      %dma_start3A_99 = arith.constant 0 : i32
      %dma_start3A_100 = tpu.memref_slice %arg4[%add3A_41, %dma_start3A_99] : memref<40960x256xf32, #tpu.memory_space<hbm>> -> memref<160x256xf32, #tpu.memory_space<hbm>>
      tpu.enqueue_dma source(%arg6 : memref<160x256xf32, #tpu.memory_space<vmem>>) target(%dma_start3A_100 : memref<160x256xf32, #tpu.memory_space<hbm>>) target_semaphore(%run_scoped3A : memref<!tpu.dma_semaphore, #tpu.memory_space<semaphore_mem>>)
      %dma_wait3A_101 = arith.constant 0 : i32
      %dma_wait3A_102 = tpu.memref_slice %arg4[%add3A_41, %dma_wait3A_101] : memref<40960x256xf32, #tpu.memory_space<hbm>> -> memref<160x256xf32, #tpu.memory_space<hbm>>
      %dma_wait3A_103 = arith.constant 0 : i32
      %dma_wait3A_104 = tpu.memref_slice %arg4[%add3A_41, %dma_wait3A_103] : memref<40960x256xf32, #tpu.memory_space<hbm>> -> memref<160x256xf32, #tpu.memory_space<hbm>>
      tpu.wait_dma2 semaphore(%run_scoped3A : memref<!tpu.dma_semaphore, #tpu.memory_space<semaphore_mem>>) src(%arg6 : memref<160x256xf32, #tpu.memory_space<vmem>>) dst(%dma_wait3A_104 : memref<160x256xf32, #tpu.memory_space<hbm>>)
      tpu.yield
    }) : () -> ()
    %dma_start3A_42 = arith.constant 640 : i32
    %dma_start3A_43 = tpu.memref_slice %arg5[%dma_start3A_42] : memref<1280xi32, #tpu.memory_space<vmem>> -> memref<160xi32, #tpu.memory_space<vmem>>
    %dma_start3A_44 = arith.constant 0 : i32
    %dma_start3A_45 = arith.constant 0 : i32
    %dma_start3A_46 = tpu.memref_slice %arg2[%dma_start3A_44, %dma_start3A_45] : memref<1024x256xf32, #tpu.memory_space<hbm>> -> memref<1024x256xf32, #tpu.memory_space<hbm>>
    tpu.enqueue_indirect_dma source(%dma_start3A_46 : memref<1024x256xf32, #tpu.memory_space<hbm>>) target(%arg6 : memref<160x256xf32, #tpu.memory_space<vmem>>) offsets(%dma_start3A_43 : memref<160xi32, #tpu.memory_space<vmem>>) semaphore(%arg8 : memref<!tpu.dma_semaphore, #tpu.memory_space<semaphore_mem>>)
    %dma_wait3A_47 = arith.constant 480 : i32
    %dma_wait3A_48 = tpu.memref_slice %arg5[%dma_wait3A_47] : memref<1280xi32, #tpu.memory_space<vmem>> -> memref<160xi32, #tpu.memory_space<vmem>>
    %dma_wait3A_49 = arith.constant 0 : i32
    %dma_wait3A_50 = arith.constant 0 : i32
    %dma_wait3A_51 = tpu.memref_slice %arg2[%dma_wait3A_49, %dma_wait3A_50] : memref<1024x256xf32, #tpu.memory_space<hbm>> -> memref<1024x256xf32, #tpu.memory_space<hbm>>
    tpu.wait_indirect_dma semaphore(%arg9 : memref<!tpu.dma_semaphore, #tpu.memory_space<semaphore_mem>>) src(%dma_wait3A_51 : memref<1024x256xf32, #tpu.memory_space<hbm>>) dst(%arg7 : memref<160x256xf32, #tpu.memory_space<vmem>>)
    %add3A_52 = arith.constant 480 : i32
    %add3A_53 = arith.addi %mul3A_2, %add3A_52 : i32
    "tpu.region"() ({
      %run_scoped3A = tpu.sem_alloc : memref<!tpu.dma_semaphore, #tpu.memory_space<semaphore_mem>>
      %dma_start3A_97 = arith.constant 0 : i32
      %dma_start3A_98 = tpu.memref_slice %arg4[%add3A_53, %dma_start3A_97] : memref<40960x256xf32, #tpu.memory_space<hbm>> -> memref<160x256xf32, #tpu.memory_space<hbm>>
      %dma_start3A_99 = arith.constant 0 : i32
      %dma_start3A_100 = tpu.memref_slice %arg4[%add3A_53, %dma_start3A_99] : memref<40960x256xf32, #tpu.memory_space<hbm>> -> memref<160x256xf32, #tpu.memory_space<hbm>>
      tpu.enqueue_dma source(%arg7 : memref<160x256xf32, #tpu.memory_space<vmem>>) target(%dma_start3A_100 : memref<160x256xf32, #tpu.memory_space<hbm>>) target_semaphore(%run_scoped3A : memref<!tpu.dma_semaphore, #tpu.memory_space<semaphore_mem>>)
      %dma_wait3A_101 = arith.constant 0 : i32
      %dma_wait3A_102 = tpu.memref_slice %arg4[%add3A_53, %dma_wait3A_101] : memref<40960x256xf32, #tpu.memory_space<hbm>> -> memref<160x256xf32, #tpu.memory_space<hbm>>
      %dma_wait3A_103 = arith.constant 0 : i32
      %dma_wait3A_104 = tpu.memref_slice %arg4[%add3A_53, %dma_wait3A_103] : memref<40960x256xf32, #tpu.memory_space<hbm>> -> memref<160x256xf32, #tpu.memory_space<hbm>>
      tpu.wait_dma2 semaphore(%run_scoped3A : memref<!tpu.dma_semaphore, #tpu.memory_space<semaphore_mem>>) src(%arg7 : memref<160x256xf32, #tpu.memory_space<vmem>>) dst(%dma_wait3A_104 : memref<160x256xf32, #tpu.memory_space<hbm>>)
      tpu.yield
    }) : () -> ()
    %dma_start3A_54 = arith.constant 800 : i32
    %dma_start3A_55 = tpu.memref_slice %arg5[%dma_start3A_54] : memref<1280xi32, #tpu.memory_space<vmem>> -> memref<160xi32, #tpu.memory_space<vmem>>
    %dma_start3A_56 = arith.constant 0 : i32
    %dma_start3A_57 = arith.constant 0 : i32
    %dma_start3A_58 = tpu.memref_slice %arg2[%dma_start3A_56, %dma_start3A_57] : memref<1024x256xf32, #tpu.memory_space<hbm>> -> memref<1024x256xf32, #tpu.memory_space<hbm>>
    tpu.enqueue_indirect_dma source(%dma_start3A_58 : memref<1024x256xf32, #tpu.memory_space<hbm>>) target(%arg7 : memref<160x256xf32, #tpu.memory_space<vmem>>) offsets(%dma_start3A_55 : memref<160xi32, #tpu.memory_space<vmem>>) semaphore(%arg9 : memref<!tpu.dma_semaphore, #tpu.memory_space<semaphore_mem>>)
    %dma_wait3A_59 = arith.constant 640 : i32
    %dma_wait3A_60 = tpu.memref_slice %arg5[%dma_wait3A_59] : memref<1280xi32, #tpu.memory_space<vmem>> -> memref<160xi32, #tpu.memory_space<vmem>>
    %dma_wait3A_61 = arith.constant 0 : i32
    %dma_wait3A_62 = arith.constant 0 : i32
    %dma_wait3A_63 = tpu.memref_slice %arg2[%dma_wait3A_61, %dma_wait3A_62] : memref<1024x256xf32, #tpu.memory_space<hbm>> -> memref<1024x256xf32, #tpu.memory_space<hbm>>
    tpu.wait_indirect_dma semaphore(%arg8 : memref<!tpu.dma_semaphore, #tpu.memory_space<semaphore_mem>>) src(%dma_wait3A_63 : memref<1024x256xf32, #tpu.memory_space<hbm>>) dst(%arg6 : memref<160x256xf32, #tpu.memory_space<vmem>>)
    %add3A_64 = arith.constant 640 : i32
    %add3A_65 = arith.addi %mul3A_2, %add3A_64 : i32
    "tpu.region"() ({
      %run_scoped3A = tpu.sem_alloc : memref<!tpu.dma_semaphore, #tpu.memory_space<semaphore_mem>>
      %dma_start3A_97 = arith.constant 0 : i32
      %dma_start3A_98 = tpu.memref_slice %arg4[%add3A_65, %dma_start3A_97] : memref<40960x256xf32, #tpu.memory_space<hbm>> -> memref<160x256xf32, #tpu.memory_space<hbm>>
      %dma_start3A_99 = arith.constant 0 : i32
      %dma_start3A_100 = tpu.memref_slice %arg4[%add3A_65, %dma_start3A_99] : memref<40960x256xf32, #tpu.memory_space<hbm>> -> memref<160x256xf32, #tpu.memory_space<hbm>>
      tpu.enqueue_dma source(%arg6 : memref<160x256xf32, #tpu.memory_space<vmem>>) target(%dma_start3A_100 : memref<160x256xf32, #tpu.memory_space<hbm>>) target_semaphore(%run_scoped3A : memref<!tpu.dma_semaphore, #tpu.memory_space<semaphore_mem>>)
      %dma_wait3A_101 = arith.constant 0 : i32
      %dma_wait3A_102 = tpu.memref_slice %arg4[%add3A_65, %dma_wait3A_101] : memref<40960x256xf32, #tpu.memory_space<hbm>> -> memref<160x256xf32, #tpu.memory_space<hbm>>
      %dma_wait3A_103 = arith.constant 0 : i32
      %dma_wait3A_104 = tpu.memref_slice %arg4[%add3A_65, %dma_wait3A_103] : memref<40960x256xf32, #tpu.memory_space<hbm>> -> memref<160x256xf32, #tpu.memory_space<hbm>>
      tpu.wait_dma2 semaphore(%run_scoped3A : memref<!tpu.dma_semaphore, #tpu.memory_space<semaphore_mem>>) src(%arg6 : memref<160x256xf32, #tpu.memory_space<vmem>>) dst(%dma_wait3A_104 : memref<160x256xf32, #tpu.memory_space<hbm>>)
      tpu.yield
    }) : () -> ()
    %dma_start3A_66 = arith.constant 960 : i32
    %dma_start3A_67 = tpu.memref_slice %arg5[%dma_start3A_66] : memref<1280xi32, #tpu.memory_space<vmem>> -> memref<160xi32, #tpu.memory_space<vmem>>
    %dma_start3A_68 = arith.constant 0 : i32
    %dma_start3A_69 = arith.constant 0 : i32
    %dma_start3A_70 = tpu.memref_slice %arg2[%dma_start3A_68, %dma_start3A_69] : memref<1024x256xf32, #tpu.memory_space<hbm>> -> memref<1024x256xf32, #tpu.memory_space<hbm>>
    tpu.enqueue_indirect_dma source(%dma_start3A_70 : memref<1024x256xf32, #tpu.memory_space<hbm>>) target(%arg6 : memref<160x256xf32, #tpu.memory_space<vmem>>) offsets(%dma_start3A_67 : memref<160xi32, #tpu.memory_space<vmem>>) semaphore(%arg8 : memref<!tpu.dma_semaphore, #tpu.memory_space<semaphore_mem>>)
    %dma_wait3A_71 = arith.constant 800 : i32
    %dma_wait3A_72 = tpu.memref_slice %arg5[%dma_wait3A_71] : memref<1280xi32, #tpu.memory_space<vmem>> -> memref<160xi32, #tpu.memory_space<vmem>>
    %dma_wait3A_73 = arith.constant 0 : i32
    %dma_wait3A_74 = arith.constant 0 : i32
    %dma_wait3A_75 = tpu.memref_slice %arg2[%dma_wait3A_73, %dma_wait3A_74] : memref<1024x256xf32, #tpu.memory_space<hbm>> -> memref<1024x256xf32, #tpu.memory_space<hbm>>
    tpu.wait_indirect_dma semaphore(%arg9 : memref<!tpu.dma_semaphore, #tpu.memory_space<semaphore_mem>>) src(%dma_wait3A_75 : memref<1024x256xf32, #tpu.memory_space<hbm>>) dst(%arg7 : memref<160x256xf32, #tpu.memory_space<vmem>>)
    %add3A_76 = arith.constant 800 : i32
    %add3A_77 = arith.addi %mul3A_2, %add3A_76 : i32
    "tpu.region"() ({
      %run_scoped3A = tpu.sem_alloc : memref<!tpu.dma_semaphore, #tpu.memory_space<semaphore_mem>>
      %dma_start3A_97 = arith.constant 0 : i32
      %dma_start3A_98 = tpu.memref_slice %arg4[%add3A_77, %dma_start3A_97] : memref<40960x256xf32, #tpu.memory_space<hbm>> -> memref<160x256xf32, #tpu.memory_space<hbm>>
      %dma_start3A_99 = arith.constant 0 : i32
      %dma_start3A_100 = tpu.memref_slice %arg4[%add3A_77, %dma_start3A_99] : memref<40960x256xf32, #tpu.memory_space<hbm>> -> memref<160x256xf32, #tpu.memory_space<hbm>>
      tpu.enqueue_dma source(%arg7 : memref<160x256xf32, #tpu.memory_space<vmem>>) target(%dma_start3A_100 : memref<160x256xf32, #tpu.memory_space<hbm>>) target_semaphore(%run_scoped3A : memref<!tpu.dma_semaphore, #tpu.memory_space<semaphore_mem>>)
      %dma_wait3A_101 = arith.constant 0 : i32
      %dma_wait3A_102 = tpu.memref_slice %arg4[%add3A_77, %dma_wait3A_101] : memref<40960x256xf32, #tpu.memory_space<hbm>> -> memref<160x256xf32, #tpu.memory_space<hbm>>
      %dma_wait3A_103 = arith.constant 0 : i32
      %dma_wait3A_104 = tpu.memref_slice %arg4[%add3A_77, %dma_wait3A_103] : memref<40960x256xf32, #tpu.memory_space<hbm>> -> memref<160x256xf32, #tpu.memory_space<hbm>>
      tpu.wait_dma2 semaphore(%run_scoped3A : memref<!tpu.dma_semaphore, #tpu.memory_space<semaphore_mem>>) src(%arg7 : memref<160x256xf32, #tpu.memory_space<vmem>>) dst(%dma_wait3A_104 : memref<160x256xf32, #tpu.memory_space<hbm>>)
      tpu.yield
    }) : () -> ()
    %dma_start3A_78 = arith.constant 1120 : i32
    %dma_start3A_79 = tpu.memref_slice %arg5[%dma_start3A_78] : memref<1280xi32, #tpu.memory_space<vmem>> -> memref<160xi32, #tpu.memory_space<vmem>>
    %dma_start3A_80 = arith.constant 0 : i32
    %dma_start3A_81 = arith.constant 0 : i32
    %dma_start3A_82 = tpu.memref_slice %arg2[%dma_start3A_80, %dma_start3A_81] : memref<1024x256xf32, #tpu.memory_space<hbm>> -> memref<1024x256xf32, #tpu.memory_space<hbm>>
    tpu.enqueue_indirect_dma source(%dma_start3A_82 : memref<1024x256xf32, #tpu.memory_space<hbm>>) target(%arg7 : memref<160x256xf32, #tpu.memory_space<vmem>>) offsets(%dma_start3A_79 : memref<160xi32, #tpu.memory_space<vmem>>) semaphore(%arg9 : memref<!tpu.dma_semaphore, #tpu.memory_space<semaphore_mem>>)
    %dma_wait3A_83 = arith.constant 960 : i32
    %dma_wait3A_84 = tpu.memref_slice %arg5[%dma_wait3A_83] : memref<1280xi32, #tpu.memory_space<vmem>> -> memref<160xi32, #tpu.memory_space<vmem>>
    %dma_wait3A_85 = arith.constant 0 : i32
    %dma_wait3A_86 = arith.constant 0 : i32
    %dma_wait3A_87 = tpu.memref_slice %arg2[%dma_wait3A_85, %dma_wait3A_86] : memref<1024x256xf32, #tpu.memory_space<hbm>> -> memref<1024x256xf32, #tpu.memory_space<hbm>>
    tpu.wait_indirect_dma semaphore(%arg8 : memref<!tpu.dma_semaphore, #tpu.memory_space<semaphore_mem>>) src(%dma_wait3A_87 : memref<1024x256xf32, #tpu.memory_space<hbm>>) dst(%arg6 : memref<160x256xf32, #tpu.memory_space<vmem>>)
    %add3A_88 = arith.constant 960 : i32
    %add3A_89 = arith.addi %mul3A_2, %add3A_88 : i32
    "tpu.region"() ({
      %run_scoped3A = tpu.sem_alloc : memref<!tpu.dma_semaphore, #tpu.memory_space<semaphore_mem>>
      %dma_start3A_97 = arith.constant 0 : i32
      %dma_start3A_98 = tpu.memref_slice %arg4[%add3A_89, %dma_start3A_97] : memref<40960x256xf32, #tpu.memory_space<hbm>> -> memref<160x256xf32, #tpu.memory_space<hbm>>
      %dma_start3A_99 = arith.constant 0 : i32
      %dma_start3A_100 = tpu.memref_slice %arg4[%add3A_89, %dma_start3A_99] : memref<40960x256xf32, #tpu.memory_space<hbm>> -> memref<160x256xf32, #tpu.memory_space<hbm>>
      tpu.enqueue_dma source(%arg6 : memref<160x256xf32, #tpu.memory_space<vmem>>) target(%dma_start3A_100 : memref<160x256xf32, #tpu.memory_space<hbm>>) target_semaphore(%run_scoped3A : memref<!tpu.dma_semaphore, #tpu.memory_space<semaphore_mem>>)
      %dma_wait3A_101 = arith.constant 0 : i32
      %dma_wait3A_102 = tpu.memref_slice %arg4[%add3A_89, %dma_wait3A_101] : memref<40960x256xf32, #tpu.memory_space<hbm>> -> memref<160x256xf32, #tpu.memory_space<hbm>>
      %dma_wait3A_103 = arith.constant 0 : i32
      %dma_wait3A_104 = tpu.memref_slice %arg4[%add3A_89, %dma_wait3A_103] : memref<40960x256xf32, #tpu.memory_space<hbm>> -> memref<160x256xf32, #tpu.memory_space<hbm>>
      tpu.wait_dma2 semaphore(%run_scoped3A : memref<!tpu.dma_semaphore, #tpu.memory_space<semaphore_mem>>) src(%arg6 : memref<160x256xf32, #tpu.memory_space<vmem>>) dst(%dma_wait3A_104 : memref<160x256xf32, #tpu.memory_space<hbm>>)
      tpu.yield
    }) : () -> ()
    %dma_wait3A_90 = arith.constant 1120 : i32
    %dma_wait3A_91 = tpu.memref_slice %arg5[%dma_wait3A_90] : memref<1280xi32, #tpu.memory_space<vmem>> -> memref<160xi32, #tpu.memory_space<vmem>>
    %dma_wait3A_92 = arith.constant 0 : i32
    %dma_wait3A_93 = arith.constant 0 : i32
    %dma_wait3A_94 = tpu.memref_slice %arg2[%dma_wait3A_92, %dma_wait3A_93] : memref<1024x256xf32, #tpu.memory_space<hbm>> -> memref<1024x256xf32, #tpu.memory_space<hbm>>
    tpu.wait_indirect_dma semaphore(%arg9 : memref<!tpu.dma_semaphore, #tpu.memory_space<semaphore_mem>>) src(%dma_wait3A_94 : memref<1024x256xf32, #tpu.memory_space<hbm>>) dst(%arg7 : memref<160x256xf32, #tpu.memory_space<vmem>>)
    %add3A_95 = arith.constant 1120 : i32
    %add3A_96 = arith.addi %mul3A_2, %add3A_95 : i32
    "tpu.region"() ({
      %run_scoped3A = tpu.sem_alloc : memref<!tpu.dma_semaphore, #tpu.memory_space<semaphore_mem>>
      %dma_start3A_97 = arith.constant 0 : i32
      %dma_start3A_98 = tpu.memref_slice %arg4[%add3A_96, %dma_start3A_97] : memref<40960x256xf32, #tpu.memory_space<hbm>> -> memref<160x256xf32, #tpu.memory_space<hbm>>
      %dma_start3A_99 = arith.constant 0 : i32
      %dma_start3A_100 = tpu.memref_slice %arg4[%add3A_96, %dma_start3A_99] : memref<40960x256xf32, #tpu.memory_space<hbm>> -> memref<160x256xf32, #tpu.memory_space<hbm>>
      tpu.enqueue_dma source(%arg7 : memref<160x256xf32, #tpu.memory_space<vmem>>) target(%dma_start3A_100 : memref<160x256xf32, #tpu.memory_space<hbm>>) target_semaphore(%run_scoped3A : memref<!tpu.dma_semaphore, #tpu.memory_space<semaphore_mem>>)
      %dma_wait3A_101 = arith.constant 0 : i32
      %dma_wait3A_102 = tpu.memref_slice %arg4[%add3A_96, %dma_wait3A_101] : memref<40960x256xf32, #tpu.memory_space<hbm>> -> memref<160x256xf32, #tpu.memory_space<hbm>>
      %dma_wait3A_103 = arith.constant 0 : i32
      %dma_wait3A_104 = tpu.memref_slice %arg4[%add3A_96, %dma_wait3A_103] : memref<40960x256xf32, #tpu.memory_space<hbm>> -> memref<160x256xf32, #tpu.memory_space<hbm>>
      tpu.wait_dma2 semaphore(%run_scoped3A : memref<!tpu.dma_semaphore, #tpu.memory_space<semaphore_mem>>) src(%arg7 : memref<160x256xf32, #tpu.memory_space<vmem>>) dst(%dma_wait3A_104 : memref<160x256xf32, #tpu.memory_space<hbm>>)
      tpu.yield
    }) : () -> ()
    return
  }
}

module attributes {stable_mosaic.version = 14 : i64} {
  func.func @_vq_body(%arg0: i32, %arg1: memref<2048x256xf32, #tpu.memory_space<vmem>>, %arg2: memref<1024x256xf32, #tpu.memory_space<vmem>>, %arg3: memref<16x128xi32, #tpu.memory_space<vmem>>, %arg4: memref<1x1xf32, #tpu.memory_space<vmem>>, %arg5: memref<1x1xf32, #tpu.memory_space<vmem>>, %arg6: memref<1x1024xf32, #tpu.memory_space<vmem>>, %arg7: memref<8x1024xf32, #tpu.memory_space<vmem>>, %arg8: memref<1xf32, #tpu.memory_space<smem>>) attributes {dimension_semantics = [#tpu.dimension_semantics<arbitrary>], iteration_bounds = array<i64: 20>, scalar_prefetch = 0 : i64, scratch_operands = 3 : i64, tpu.core_type = #tpu.core_type<tc>, window_params = [{transform_indices = @transform_0, window_bounds = array<i64: 2048, 256>}, {pipeline_mode = #tpu.pipeline_mode<synchronous>, transform_indices = @transform_1, window_bounds = array<i64: 1024, 256>}, {transform_indices = @transform_2, window_bounds = array<i64: 16, 128>}, {pipeline_mode = #tpu.pipeline_mode<synchronous>, transform_indices = @transform_3, window_bounds = array<i64: 1, 1>}, {pipeline_mode = #tpu.pipeline_mode<synchronous>, transform_indices = @transform_4, window_bounds = array<i64: 1, 1>}]} {
    %get3A = arith.constant 0 : index
    %get3A_0 = arith.constant 0 : index
    %get3A_1 = vector.load %arg1[%get3A, %get3A_0] : memref<2048x256xf32, #tpu.memory_space<vmem>>, vector<2048x256xf32>
    %get3A_2 = arith.constant 0 : index
    %get3A_3 = arith.constant 0 : index
    %get3A_4 = vector.load %arg2[%get3A_2, %get3A_3] : memref<1024x256xf32, #tpu.memory_space<vmem>>, vector<1024x256xf32>
    %eq3A = arith.constant 0 : i32
    %eq3A_5 = arith.cmpi eq, %arg0, %eq3A : i32
    %convert_element_type3A = arith.extui %eq3A_5 : i1 to i32
    %cond3A = arith.constant 0 : i32
    %cond3A_6 = arith.cmpi ne, %convert_element_type3A, %cond3A : i32
    scf.if %cond3A_6 {
      %mul3A_59 = arith.mulf %get3A_4, %get3A_4 : vector<1024x256xf32>
      %reduce_sum3A_60 = arith.constant dense<0.000000e+00> : vector<1024xf32>
      %reduce_sum3A_61 = vector.multi_reduction <add>, %mul3A_59, %reduce_sum3A_60 [1] : vector<1024x256xf32> to vector<1024xf32>
      %reshape3A_62 = vector.shape_cast %reduce_sum3A_61 : vector<1024xf32> to vector<1x1024xf32>
      %swap3A_63 = arith.constant 0 : index
      %swap3A_64 = arith.constant 0 : index
      %swap3A_65 = vector.load %arg6[%swap3A_63, %swap3A_64] : memref<1x1024xf32, #tpu.memory_space<vmem>>, vector<1x1024xf32>
      tpu.vector_store %arg6[%swap3A_63, %swap3A_64], %reshape3A_62 {strides = array<i32>} : memref<1x1024xf32, #tpu.memory_space<vmem>>, vector<1x1024xf32>,
      %broadcast_in_dim3A_66 = arith.constant 0.000000e+00 : f32
      %broadcast_in_dim3A_67 = vector.broadcast %broadcast_in_dim3A_66 : f32 to vector<8x1024xf32>
      %swap3A_68 = arith.constant 0 : index
      %swap3A_69 = arith.constant 0 : index
      %swap3A_70 = vector.load %arg7[%swap3A_68, %swap3A_69] : memref<8x1024xf32, #tpu.memory_space<vmem>>, vector<8x1024xf32>
      tpu.vector_store %arg7[%swap3A_68, %swap3A_69], %broadcast_in_dim3A_67 {strides = array<i32>} : memref<8x1024xf32, #tpu.memory_space<vmem>>, vector<8x1024xf32>,
      %swap3A_71 = arith.constant 0.000000e+00 : f32
      %swap3A_72 = arith.constant 0 : index
      %swap3A_73 = memref.load %arg8[%swap3A_72] : memref<1xf32, #tpu.memory_space<smem>>
      memref.store %swap3A_71, %arg8[%swap3A_72] : memref<1xf32, #tpu.memory_space<smem>>
    } else {
    }
    %mul3A = arith.mulf %get3A_1, %get3A_1 : vector<2048x256xf32>
    %reduce_sum3A = arith.constant dense<0.000000e+00> : vector<2048xf32>
    %reduce_sum3A_7 = vector.multi_reduction <add>, %mul3A, %reduce_sum3A [1] : vector<2048x256xf32> to vector<2048xf32>
    %broadcast_in_dim3A = vector.shape_cast %reduce_sum3A_7 : vector<2048xf32> to vector<2048x1xf32>
    %mul3A_8 = arith.constant -2.000000e+00 : f32
    %mul3A_9 = vector.broadcast %mul3A_8 : f32 to vector<2048x256xf32>
    %mul3A_10 = arith.mulf %mul3A_9, %get3A_1 : vector<2048x256xf32>
    %dot_general3A = arith.constant dense<0.000000e+00> : vector<2048x1024xf32>
    %dot_general3A_11 = tpu.matmul %mul3A_10, %get3A_4, %dot_general3A {dimension_numbers = #tpu.dot_dimension_numbers<[1], [1], [0], [0], [0, 0, 1, 0], [], []>, transpose_lhs_hint = false} : vector<2048x256xf32>, vector<1024x256xf32>, vector<2048x1024xf32> -> vector<2048x1024xf32>
    %get3A_12 = arith.constant 0 : index
    %get3A_13 = arith.constant 0 : index
    %get3A_14 = vector.load %arg6[%get3A_12, %get3A_13] : memref<1x1024xf32, #tpu.memory_space<vmem>>, vector<1x1024xf32>
    %add3A = vector.broadcast %broadcast_in_dim3A : vector<2048x1xf32> to vector<2048x1024xf32>
    %add3A_15 = vector.broadcast %get3A_14 : vector<1x1024xf32> to vector<2048x1024xf32>
    %add3A_16 = arith.addf %add3A, %add3A_15 : vector<2048x1024xf32>
    %add3A_17 = arith.addf %add3A_16, %dot_general3A_11 : vector<2048x1024xf32>
    %reduce_min3A = arith.constant dense<0x7F800000> : vector<2048xf32>
    %reduce_min3A_18 = vector.multi_reduction <minimumf>, %add3A_17, %reduce_min3A [1] : vector<2048x1024xf32> to vector<2048xf32>
    %broadcast_in_dim3A_19 = vector.shape_cast %reduce_min3A_18 : vector<2048xf32> to vector<2048x1xf32>
    %iota3A = tpu.iota {dimensions = array<i32: 1>} : vector<2048x1024xi32>
    %eq3A_20 = vector.broadcast %broadcast_in_dim3A_19 : vector<2048x1xf32> to vector<2048x1024xf32>
    %eq3A_21 = arith.cmpf oeq, %add3A_17, %eq3A_20 : vector<2048x1024xf32>
    %jit3A = arith.constant 1024 : i32
    %broadcast_in_dim3A_22 = vector.broadcast %jit3A : i32 to vector<2048x1024xi32>
    %select_n3A = arith.select %eq3A_21, %iota3A, %broadcast_in_dim3A_22 : vector<2048x1024xi1>, vector<2048x1024xi32>
    %reduce_min3A_23 = arith.constant dense<2147483647> : vector<2048xi32>
    %reduce_min3A_24 = vector.multi_reduction <minsi>, %select_n3A, %reduce_min3A_23 [1] : vector<2048x1024xi32> to vector<2048xi32>
    %reshape3A = vector.shape_cast %reduce_min3A_24 : vector<2048xi32> to vector<16x128xi32>
    %swap3A = arith.constant 0 : index
    %swap3A_25 = arith.constant 0 : index
    %swap3A_26 = vector.load %arg3[%swap3A, %swap3A_25] : memref<16x128xi32, #tpu.memory_space<vmem>>, vector<16x128xi32>
    tpu.vector_store %arg3[%swap3A, %swap3A_25], %reshape3A {strides = array<i32>} : memref<16x128xi32, #tpu.memory_space<vmem>>, vector<16x128xi32>,
    %broadcast_in_dim3A_27 = vector.shape_cast %reduce_min3A_24 : vector<2048xi32> to vector<2048x1xi32>
    %eq3A_28 = vector.broadcast %broadcast_in_dim3A_27 : vector<2048x1xi32> to vector<2048x1024xi32>
    %eq3A_29 = arith.cmpi eq, %iota3A, %eq3A_28 : vector<2048x1024xi32>
    %convert_element_type3A_30 = arith.extui %eq3A_29 : vector<2048x1024xi1> to vector<2048x1024xi32>
    %convert_element_type3A_31 = arith.sitofp %convert_element_type3A_30 : vector<2048x1024xi32> to vector<2048x1024xf32>
    %convert_element_type3A_32 = arith.truncf %convert_element_type3A_31 : vector<2048x1024xf32> to vector<2048x1024xbf16>
    %get3A_33 = arith.constant 0 : index
    %get3A_34 = arith.constant 0 : index
    %get3A_35 = vector.load %arg7[%get3A_33, %get3A_34] : memref<8x1024xf32, #tpu.memory_space<vmem>>, vector<8x1024xf32>
    %broadcast_in_dim3A_36 = arith.constant 1.000000e+00 : bf16
    %broadcast_in_dim3A_37 = vector.broadcast %broadcast_in_dim3A_36 : bf16 to vector<8x2048xbf16>
    %dot_general3A_38 = arith.constant dense<0.000000e+00> : vector<8x1024xf32>
    %dot_general3A_39 = tpu.matmul %broadcast_in_dim3A_37, %convert_element_type3A_32, %dot_general3A_38 {dimension_numbers = #tpu.dot_dimension_numbers<[1], [0], [0], [1], [0, 0, 1, 1], [], []>, transpose_lhs_hint = false} : vector<8x2048xbf16>, vector<2048x1024xbf16>, vector<8x1024xf32> -> vector<8x1024xf32>
    %add3A_40 = arith.addf %get3A_35, %dot_general3A_39 : vector<8x1024xf32>
    %swap3A_41 = arith.constant 0 : index
    %swap3A_42 = arith.constant 0 : index
    %swap3A_43 = vector.load %arg7[%swap3A_41, %swap3A_42] : memref<8x1024xf32, #tpu.memory_space<vmem>>, vector<8x1024xf32>
    tpu.vector_store %arg7[%swap3A_41, %swap3A_42], %add3A_40 {strides = array<i32>} : memref<8x1024xf32, #tpu.memory_space<vmem>>, vector<8x1024xf32>,
    %get3A_44 = arith.constant 0 : index
    %get3A_45 = memref.load %arg8[%get3A_44] : memref<1xf32, #tpu.memory_space<smem>>
    %reduce_sum3A_46 = vector.shape_cast %broadcast_in_dim3A_19 : vector<2048x1xf32> to vector<1x2048x1xf32>
    %reduce_sum3A_47 = arith.constant dense<0.000000e+00> : vector<1xf32>
    %reduce_sum3A_48 = vector.multi_reduction <add>, %reduce_sum3A_46, %reduce_sum3A_47 [1, 2] : vector<1x2048x1xf32> to vector<1xf32>
    %reduce_sum3A_49 = vector.shape_cast %reduce_sum3A_48 : vector<1xf32> to vector<1x1x1xf32>
    %reduce_sum3A_50 = vector.extract %reduce_sum3A_49[0, 0, 0] : f32 from vector<1x1x1xf32>
    %add3A_51 = arith.addf %get3A_45, %reduce_sum3A_50 : f32
    %swap3A_52 = arith.constant 0 : index
    %swap3A_53 = memref.load %arg8[%swap3A_52] : memref<1xf32, #tpu.memory_space<smem>>
    memref.store %add3A_51, %arg8[%swap3A_52] : memref<1xf32, #tpu.memory_space<smem>>
    %eq3A_54 = arith.constant 19 : i32
    %eq3A_55 = arith.cmpi eq, %arg0, %eq3A_54 : i32
    %convert_element_type3A_56 = arith.extui %eq3A_55 : i1 to i32
    %cond3A_57 = arith.constant 0 : i32
    %cond3A_58 = arith.cmpi ne, %convert_element_type3A_56, %cond3A_57 : i32
    scf.if %cond3A_58 {
      %get3A_59 = arith.constant 0 : index
      %get3A_60 = memref.load %arg8[%get3A_59] : memref<1xf32, #tpu.memory_space<smem>>
      %div3A = arith.constant 0x4B200000 : f32
      %div3A_61 = arith.divf %get3A_60, %div3A : f32
      %mul3A_62 = arith.constant 2.500000e-01 : f32
      %mul3A_63 = arith.mulf %mul3A_62, %div3A_61 : f32
      %add3A_64 = arith.addf %div3A_61, %mul3A_63 : f32
      %broadcast_in_dim3A_65 = vector.broadcast %add3A_64 : f32 to vector<1x1xf32>
      %swap3A_66 = arith.constant 0 : index
      %swap3A_67 = arith.constant 0 : index
      %swap3A_68 = vector.load %arg4[%swap3A_66, %swap3A_67] : memref<1x1xf32, #tpu.memory_space<vmem>>, vector<1x1xf32>
      tpu.vector_store %arg4[%swap3A_66, %swap3A_67], %broadcast_in_dim3A_65 {strides = array<i32>} : memref<1x1xf32, #tpu.memory_space<vmem>>, vector<1x1xf32>,
      %get3A_69 = arith.constant 0 : index
      %get3A_70 = arith.constant 0 : index
      %get3A_71 = vector.load %arg7[%get3A_69, %get3A_70] : memref<8x1024xf32, #tpu.memory_space<vmem>>, vector<1x1024xf32>
      %div3A_72 = arith.constant 4.096000e+04 : f32
      %div3A_73 = vector.broadcast %div3A_72 : f32 to vector<1x1024xf32>
      %div3A_74 = arith.divf %get3A_71, %div3A_73 : vector<1x1024xf32>
      %add3A_75 = arith.constant 1.000000e-10 : f32
      %add3A_76 = vector.broadcast %add3A_75 : f32 to vector<1x1024xf32>
      %add3A_77 = arith.addf %div3A_74, %add3A_76 : vector<1x1024xf32>
      %log3A = math.log %add3A_77 : vector<1x1024xf32>
      %mul3A_78 = arith.mulf %div3A_74, %log3A : vector<1x1024xf32>
      %reduce_sum3A_79 = vector.shape_cast %mul3A_78 : vector<1x1024xf32> to vector<1x1x1024xf32>
      %reduce_sum3A_80 = arith.constant dense<0.000000e+00> : vector<1xf32>
      %reduce_sum3A_81 = vector.multi_reduction <add>, %reduce_sum3A_79, %reduce_sum3A_80 [1, 2] : vector<1x1x1024xf32> to vector<1xf32>
      %reduce_sum3A_82 = vector.shape_cast %reduce_sum3A_81 : vector<1xf32> to vector<1x1x1xf32>
      %reduce_sum3A_83 = vector.extract %reduce_sum3A_82[0, 0, 0] : f32 from vector<1x1x1xf32>
      %neg3A = arith.constant 0.000000e+00 : f32
      %neg3A_84 = arith.subf %neg3A, %reduce_sum3A_83 : f32
      %exp3A = math.exp %neg3A_84 : f32
      %broadcast_in_dim3A_85 = vector.broadcast %exp3A : f32 to vector<1x1xf32>
      %swap3A_86 = arith.constant 0 : index
      %swap3A_87 = arith.constant 0 : index
      %swap3A_88 = vector.load %arg5[%swap3A_86, %swap3A_87] : memref<1x1xf32, #tpu.memory_space<vmem>>, vector<1x1xf32>
      tpu.vector_store %arg5[%swap3A_86, %swap3A_87], %broadcast_in_dim3A_85 {strides = array<i32>} : memref<1x1xf32, #tpu.memory_space<vmem>>, vector<1x1xf32>,
    } else {
    }
    return
  }
  func.func @transform_0(%arg0: i32) -> (i32, i32) {
    %c0_i32 = arith.constant 0 : i32
    %c0_i32_0 = arith.constant 0 : i32
    return %arg0, %c0_i32 : i32, i32
  }
  func.func @transform_1(%arg0: i32) -> (i32, i32) {
    %c0_i32 = arith.constant 0 : i32
    %c0_i32_0 = arith.constant 0 : i32
    %c0_i32_1 = arith.constant 0 : i32
    return %c0_i32, %c0_i32_0 : i32, i32
  }
  func.func @transform_2(%arg0: i32) -> (i32, i32) {
    %c0_i32 = arith.constant 0 : i32
    %c0_i32_0 = arith.constant 0 : i32
    return %arg0, %c0_i32 : i32, i32
  }
  func.func @transform_3(%arg0: i32) -> (i32, i32) {
    %c0_i32 = arith.constant 0 : i32
    %c0_i32_0 = arith.constant 0 : i32
    %c0_i32_1 = arith.constant 0 : i32
    return %c0_i32, %c0_i32_0 : i32, i32
  }
  func.func @transform_4(%arg0: i32) -> (i32, i32) {
    %c0_i32 = arith.constant 0 : i32
    %c0_i32_0 = arith.constant 0 : i32
    %c0_i32_1 = arith.constant 0 : i32
    return %c0_i32, %c0_i32_0 : i32, i32
  }
}

</mosaic_0001>

<sc_bundles>
// kernel: kernel.4.cloned.1.call-start
scs
__scs_entry_jumppad:
0x0: {  	(pc) =	sbr.rel $0x88, $3  }
0x1: {  	(tag) =	ssettag $0x0;
	lr =	simm.s32 $0x1  }
0x2: {  	[smem:$0x3F9F] =	sst lr;
	_ =	strace $0xD0000000  }
0x3: {  	_ = 	snop  }
0x4: {  	_ = 	snop  }
0x5: {  	_ = 	snop  }
0x6: {  	_ = 	snop  }
0x7: {  	_ = 	snop  }
__scs_overlays_trampoline_lowered:
0x8: {  	[smem:$0x3FAE] =	sst s0  }
0x9: {  	[smem:$0x3FAF] =	sst s1  }
0xa: {  	[smem:$0x3FB0] =	sst s2  }
0xb: {  	[smem:$0x3FB1] =	sst s3  }
0xc: {  	[smem:$0x3FB2] =	sst s4  }
0xd: {  	[smem:$0x3FB3] =	sst s5  }
0xe: {  	[smem:$0x3FB4] =	sst s6  }
0xf: {  	[smem:$0x3FB5] =	sst s7  }
0x10: {  	[smem:$0x3FB6] =	sst s8  }
0x11: {  	[smem:$0x3FB7] =	sst s9;
	s0 =	simm.s32 @!p0 $0x0  }
0x12: {  	s1 =	sld [smem:$0x3F9D];
	s0 =	simm.s32 @p0 $0x1  }
0x13: {  	[smem:$0x3FB8] =	sst s0;
	s0 =	simm.s32 @!p1 $0x0  }
0x14: {  	s2 =	sld [smem:$0x3F9C];
	s0 =	simm.s32 @p1 $0x1  }
0x15: {  	[smem:$0x3FB9] =	sst s0;
	s0 =	simm.s32 @!p2 $0x0  }
0x16: {  	s3 =	sld [smem:$0x3FDB];
	s0 =	simm.s32 @p2 $0x1  }
0x17: {  	s4 =	simm.s32 $0x1BF5;
	[smem:$0x3FBB] =	sst s0  }
0x18: {  	s0 =	sld [smem:$0x3F9E];
	_ =	swait.ge [sflag:s4], $0x0  }
0x19: {  	s7 =	sld [smem:$0x3F9F]  }
0x1a: {  	s8 =	sadd.s32 $0xFFFFE003, lr  }
0x1b: {  	s9 =	sadd.s32 $0xFFFFFEF7, lr;
	s5 =	simm.s32 $0xFFFFFFFF;
	p2 =	slt.u32 s8, $0xFFFFF086  }
0x1c: {  	p1 =	slt.u32 s9, $0xF7A;
	s5 =	simm.s32 @!p2 $0x0  }
0x1d: {  	s5 =	simm.s32 @p1 $0x1;
	p0 =	seq.s32 s7, s2  }
0x1e: {  	s7 =	smul.u32 @!p0 $0xF7A, s2;
	p2 =	seq.s32 @!p0 s5, $0x0  }
0x1f: {  	s9 =	smul.u32 $0xF7A, s1;
	s8 =	simm.s32 @!p0 $0x1BF5;
	p2 =	por !p2, p0  }
0x20: {  	[sflag:s8] =	ssyncset.s32 @!p0 $0xFFFFF086;
	s6 =	sadd.s32 @!p0 s3, s7;
	s7 =	simm.s32 @!p0 $0x108  }
0x21: {  	s3 =	sadd.s32 s3, s9;
	s6 =	sadd.s32 @!p0 $0x88, s6;
	s7 =	simm.s32 @p2 $0x1082  }
0x22: {  	[simem:s7], [sflag:s8] =	dma.local @!p0 [hbm:s6], $0xF7A  }
0x23: {  	s9 =	sor.u32 $0xD0000000, s2;
	s6 =	simm.s32 $0x108;
	_ =	swait.ge @!p0 [sflag:s8], $0x0  }
0x24: {  	s3 =	sadd.s32 $0x88, s3;
	s6 =	simm.s32 @!p1 $0x1082;
	[sflag:s4] =	ssyncset.s32 $0xFFFFF086  }
0x25: {  	[simem:s6], [sflag:s4] =	dma.local [hbm:s3], $0xF7A  }
0x26: {  	[smem:$0x3F9F] =	sst s1;
	(tag) =	ssettag s2;
	_ =	strace s9  }
0x27: {  	s1 =	sld [smem:$0x3FAF]  }
0x28: {  	s2 =	sld [smem:$0x3FB0]  }
0x29: {  	s4 =	sld [smem:$0x3FB2]  }
0x2a: {  	p0 =	seq.s32 s5, $0x0;
	s5 =	sld [smem:$0x3FB3]  }
0x2b: {  	s6 =	sld [smem:$0x3FB4]  }
0x2c: {  	s7 =	sld [smem:$0x3FB5]  }
0x2d: {  	s3 =	simm.s32 $0x108;
	s8 =	sld [smem:$0x3FB6]  }
0x2e: {  	s3 =	simm.s32 @!p0 $0x1082;
	s9 =	sld [smem:$0x3FB7]  }
0x2f: {  	lr =	sadd.s32 s0, s3;
	s0 =	sld [smem:$0x3FAE]  }
0x30: {  	s3 =	sld [smem:$0x3FB1]  }
0x31: {  	[smem:$0x3FBA] =	sst s10  }
0x32: {  	s10 =	sld [smem:$0x3FB8];
	_ =	sdelay $0x3  }
0x33: {  	p0 =	seq.s32 s10, $0x1;
	s10 =	sld [smem:$0x3FBA];
	_ =	sdelay $0x3  }
0x34: {  	[smem:$0x3FBA] =	sst s10  }
0x35: {  	s10 =	sld [smem:$0x3FB9];
	_ =	sdelay $0x3  }
0x36: {  	p1 =	seq.s32 s10, $0x1;
	s10 =	sld [smem:$0x3FBA];
	_ =	sdelay $0x3  }
0x37: {  	[smem:$0x3FBA] =	sst s10  }
0x38: {  	s10 =	sld [smem:$0x3FBB]  }
0x39: {  	_ = 	snop;
	(pc) =	sbr.ind lr, $3  }
0x3a: {  	_ = 	snop  }
0x3b: {  	_ = 	snop  }
0x3c: {  	p2 =	seq.s32 s10, $0x1;
	s10 =	sld [smem:$0x3FBA]  }
0x3d: {  	_ =	shalt  }
0x3e: {  	_ =	shalt  }
0x3f: {  	_ =	shalt  }
0x40: {  	_ =	shalt  }
0x41: {  	_ =	shalt  }
0x42: {  	_ =	shalt  }
0x43: {  	_ =	shalt  }
0x44: {  	_ =	shalt  }
0x45: {  	_ =	shalt  }
0x46: {  	_ =	shalt  }
0x47: {  	_ =	shalt  }
0x48: {  	_ =	shalt  }
0x49: {  	_ =	shalt  }
0x4a: {  	_ =	shalt  }
0x4b: {  	_ =	shalt  }
0x4c: {  	_ =	shalt  }
0x4d: {  	_ =	shalt  }
0x4e: {  	_ =	shalt  }
0x4f: {  	_ =	shalt  }
0x50: {  	_ =	shalt  }
0x51: {  	_ =	shalt  }
0x52: {  	_ =	shalt  }
0x53: {  	_ =	shalt  }
0x54: {  	_ =	shalt  }
0x55: {  	_ =	shalt  }
0x56: {  	_ =	shalt  }
0x57: {  	_ =	shalt  }
0x58: {  	_ =	shalt  }
0x59: {  	_ =	shalt  }
0x5a: {  	_ =	shalt  }
0x5b: {  	_ =	shalt  }
0x5c: {  	_ =	shalt  }
0x5d: {  	_ =	shalt  }
0x5e: {  	_ =	shalt  }
0x5f: {  	_ =	shalt  }
0x60: {  	_ =	shalt  }
0x61: {  	_ =	shalt  }
0x62: {  	_ =	shalt  }
0x63: {  	_ =	shalt  }
0x64: {  	_ =	shalt  }
0x65: {  	_ =	shalt  }
0x66: {  	_ =	shalt  }
0x67: {  	_ =	shalt  }
0x68: {  	_ =	shalt  }
0x69: {  	_ =	shalt  }
0x6a: {  	_ =	shalt  }
0x6b: {  	_ =	shalt  }
0x6c: {  	_ =	shalt  }
0x6d: {  	_ =	shalt  }
0x6e: {  	_ =	shalt  }
0x6f: {  	_ =	shalt  }
0x70: {  	_ =	shalt  }
0x71: {  	_ =	shalt  }
0x72: {  	_ =	shalt  }
0x73: {  	_ =	shalt  }
0x74: {  	_ =	shalt  }
0x75: {  	_ =	shalt  }
0x76: {  	_ =	shalt  }
0x77: {  	_ =	shalt  }
0x78: {  	_ =	shalt  }
0x79: {  	_ =	shalt  }
0x7a: {  	_ =	shalt  }
0x7b: {  	_ =	shalt  }
0x7c: {  	_ =	shalt  }
0x7d: {  	_ =	shalt  }
0x7e: {  	_ =	shalt  }
0x7f: {  	_ =	shalt  }
0x80: {  	_ =	shalt  }
0x81: {  	_ =	shalt  }
0x82: {  	_ =	shalt  }
0x83: {  	_ =	shalt  }
0x84: {  	_ =	shalt  }
0x85: {  	_ =	shalt  }
0x86: {  	_ =	shalt  }
0x87: {  	_ =	shalt  }
.Lfunc_end0:
.L_simem_size_0:
called_computation_lowered:
.L_overlay_start_0:
0x88: {  	s2 =	sld [smem:$0x3FD9]  }
0x89: {  	s3 =	sld [smem:$0x3FFE];
	_ =	sdelay $0x1  }
0x8a: {  	s1 =	srdreg.scid  }
0x8b: {  	s0 =	sand.u32 $0x1, s1  }
0x8c: {  	s14 =	sshll.u32 s0, $0xA;
	s2 =	sadd.s32 s3, s2  }
0x8d: {  	s2 =	sadd.s32 s2, s14  }
0x8e: {  	[smem:$0x3FC6] =	sst s2  }
0x8f: {  	_ = 	snop  }
0x90: {  	s2 =	sld [smem:$0x3FD0];
	_ =	sdelay $0x2  }
0x91: {  	s4 =	simm.s32 $0xA;
	s5 =	simm.s32 $0x10;
	s15 =	sld [smem:$0x3FC8]  }
0x92: {  	[smem:s5], [sflag:s4] =	dma.local [hbm:s2], $0x1  }
0x93: {  	_ =	swait.eq [sflag:s4], $0x1  }
0x94: {  	[sflag:s4] =	ssyncset.done $0x0  }
0x95: {  	[sflag:s4] =	ssyncadd.s32 $0xFFFFFFFF  }
0x96: {  	s16 =	sld [smem:$0x11];
	(tm) =	ssettm $0x1  }
0x97: {  	s17 =	sld [smem:$0x3FFB];
	_ =	sdelay $0x3  }
0x98: {  	_ =	strace s17  }
0x99: {  	s4 =	sld [smem:$0x3FFC];
	_ =	sdelay $0x3  }
0x9a: {  	_ =	strace s4  }
0x9b: {  	s4 =	sld [smem:$0x3FFD];
	_ =	sdelay $0x3  }
0x9c: {  	_ =	strace s4  }
0x9d: {  	_ =	strace $0x8FFFFFFF  }
0x9e: {  	s18 =	sld [smem:$0x3FDB];
	_ =	sdelay $0x1  }
0x9f: {  	s19 =	simm.s32 $_scs_section_size  }
0xa0: {  	s6 =	simm.s32 $_size__tile_overlayer_lowered;
	s7 =	simm.s32 $_tile_overlayer_lowered  }
0xa1: {  	s22 =	simm.s32 $0x1BFF;
	s21 =	sshll.u32 s7, $0x1;
	s4 =	sadd.s32 s19, s18  }
0xa2: {  	s8 =	simm.s32 $0x0;
	s20 =	sshll.u32 s6, $0x1;
	s6 =	sadd.s32 s21, s4  }
0xa3: {  	[timem:s8], [sflag:s22] =	dma.local [hbm:s6], s20  }
0xa4: {  	_ =	swait.ge [sflag:s22], s20  }
0xa5: {  	s5 =	ssub.s32 $0x0, s20;
	[sflag:s22] =	ssyncset.done $0x0  }
0xa6: {  	[sflag:s22] =	ssyncadd.s32 s5;
	_ =	sdelay $0x1  }
0xa7: {  	s23 =	simm.s32 $0x1B8B  }
0xa8: {  	_ =	swait.ge [sflag:s23], $0x1  }
0xa9: {  	[sflag:s23] =	ssyncset.done $0x0  }
0xaa: {  	s25 =	simm.s32 $0x1B8E;
	s24 =	sld [smem:$0x3FFE];
	[sflag:s23] =	ssyncadd.s32 $0xFFFFFFFF  }
0xab: {  	s26 =	simm.s32 $execute0_lowered;
	[smem:$0x3FD2] =	sst s25  }
0xac: {  	s6 =	sshll.u32 s26, $0x1;
	_ =	strace $0x80000046;
	[dreg:$0x1] =	wrdreg $0xFFFFFFFF  }
0xad: {  	s28 =	simm.s32 $_size_execute0_lowered;
	s4 =	sadd.s32 s4, s6;
	[dreg:$0x0] =	wrdreg $0x0  }
0xae: {  	s6 =	sshll.u32 s28, $0x1;
	[dreg:$0x2] =	wrdreg s4  }
0xaf: {  	[dreg:$0x3] =	wrdreg s6  }
0xb0: {  	[dreg:$0x4] =	wrdreg $0xC0  }
0xb1: {  	_ =	task [dreg:s8], $0x5FFFF  }
0xb2: {  	[dreg:$0x1] =	wrdreg $0xFFFFFFFF  }
0xb3: {  	[dreg:$0x0] =	wrdreg $0x60  }
0xb4: {  	[dreg:$0x2] =	wrdreg s15  }
0xb5: {  	[dreg:$0x3] =	wrdreg s16  }
0xb6: {  	[dreg:$0x4] =	wrdreg s24  }
0xb7: {  	[dreg:$0x5] =	wrdreg $0x9  }
0xb8: {  	_ =	task.clear_ibuf [dreg:s8], $0x6FFFF;
	_ =	strace $0x90000046  }
0xb9: {  	s29 =	simm.s32 $0x9;
	_ =	strace $0x80000048  }
0xba: {  	_ =	swait.ge [sflag:s29], $0x1  }
0xbb: {  	[sflag:s29] =	ssyncadd.s32 $0xFFFFFFFF  }
0xbc: {  	_ =	strace $0x90000048  }
0xbd: {  	_ =	sfence  }
0xbe: {  	s30 =	sld [smem:$0x0];
	_ =	sdelay $0x2  }
0xbf: {  	s31 =	sshll.u32 s1, $0xD;
	s1 =	sshrl.u32 s1, $0x2  }
0xc0: {  	s3 =	sand.u32 $0x4000, s31;
	s1 =	sadd.s32 s1, s30  }
0xc1: {  	s0 =	sor.u32 s3, s0;
	s1 =	sshll.u32 s1, $0x11  }
0xc2: {  	s0 =	sor.u32 s1, s0  }
0xc3: {  	s0 =	sadd.s32 $0x8F2B, s0  }
0xc4: {  	[sflag:s0] =	ssyncadd.remote.s32 $0x1  }
0xc5: {  	_ =	sfence.sel $0xFFFF  }
0xc6: {  	[dreg:$0x0] =	wrdreg $0xFFFFFFFF;
	(pc) =	sbr.abs _section_cstart, $3  }
0xc7: {  	[dreg:$0x1] =	wrdreg $0xFFFFFFFF  }
0xc8: {  	_ =	task.clear_ibuf [dreg:s8], $0x2FFFF;
	_ =	strace $0x9FFFFFFF  }
0xc9: {  	(tm) =	ssettm $0x7FFFFFFF  }
tec
execute0_lowered:
.L_overlay_start_1:
0x0: {  	(tag) =	ssettag $0x1  }
0x1: {  	s0 =	srdreg.scid;
	s2 =	stileid.u32  }
0x2: {  	s0 =	sand.u32 $0x1, s0;
	s2 =	sshll.u32 s2, $0x1  }
0x3: {  	s1 =	rddreg [dreg:$0x0];
	s2 =	sor.u32 s0, s2  }
0x4: {  	s4 =	rddreg [dreg:$0x1];
	s6 =	smul.u32 $0xA0, s2  }
0x5: {  	s5 =	rddreg [dreg:$0x2];
	s3 =	simm.s32 $0x0;
	s7 =	smul.u32 $0xA000, s2  }
0x6: {  	s30 =	simm.s32 $0x500;
	[smem:$0x7FF] =	sst s3;
	s2 =	smul.u32 $0x50000, s2  }
0x7: {  	s5 =	sadd.s32 $0xC00, s5;
	_ =	strace $0x80000047;
	s4 =	sadd.s32 s4, s6  }
0x8: {  	s21 =	sadd.s32 s5, s7;
	s2 =	sshrl.u32 s2, $0x3;
	[dreg:$0x4] =	wrdreg s4  }
0x9: {  	[dreg:$0xc] =	wrdreg s21;
	s22 =	sadd.s32 $0x1400, s21;
	s2 =	sadd.s32 s5, s2  }
0xa: {  	s28 =	simm.s32 $0xA500;
	[dreg:$0x5] =	wrdreg s22;
	s23 =	sadd.s32 $0x2800, s2  }
0xb: {  	s0 =	ssub.s32 $0x2, s0;
	s24 =	sadd.s32 $0x3C00, s2;
	[dreg:$0x6] =	wrdreg s23  }
0xc: {  	s29 =	sshrl.u32 s0, $0x1;
	s25 =	sadd.s32 $0x5000, s2;
	[dreg:$0x7] =	wrdreg s24  }
0xd: {  	s0 =	ssub.s32 s0, s29;
	s26 =	sadd.s32 $0x6400, s2;
	[dreg:$0x8] =	wrdreg s25  }
0xe: {  	v2 =	vlaneseq.u32;
	s6 =	simm.s32 $0x3;
	s31 =	sadd.s32 $0x7800, s2;
	[dreg:$0x9] =	wrdreg s26  }
0xf: {  	vm0 =	vmmov $0xffff;
	v1 =	vshrl.u32 v2, $0x3;
	s5 =	smax.u32 s0, $0x1;
	s2 =	sadd.s32 $0x8C00, s2;
	[dreg:$0xa] =	wrdreg s31  }
0x10: {  	v0 =	vand.u32 $0x7, v2;
	v2 =	vor.u32 $0x8, v2;
	v1 =	vmul.u32 $0x8, v1;
	s21 =	simm.s32 $0x1;
	s22 =	simm.s32 $0x2;
	[dreg:$0xb] =	wrdreg s2  }
.LBB2_1:
0x11: {  	s23 =	rddreg [dreg:$0x4]  }
0x12: {  	[tilespmem:s3], [sflag:$0x3] =	stream.linear.gather [hbm4b:s23+s3], $0x500, $0x38;
	[tilespmem:$0x14500] =	vst v63  }
0x13: {  	_ =	swait.ge [sflag:s6], $0x500  }
0x14: {  	[sflag:s6] =	ssyncset.done $0x0  }
0x15: {  	[sflag:s6] =	ssyncadd.s32 $0xFFFFFB00  }
0x16: {  	v3 =	vld [tilespmem:$0x0];
	_ =	sdelay $0x4  }
0x17: {  	v4 =	vshll.u32 v3, $0x1  }
0x18: {  	v3 =	vand.u32 $0x7, v3;
	v4 =	vand.u32 $0xFFFFFFF0, v4  }
0x19: {  	v3 =	vor.u32 v3, v4  }
0x1a: {  	v4 =	vperm.xlane v3, v0;
	_ =	sdelay $0x1  }
0x1b: {  	v3 =	vperm.xlane v3, v2;
	v4 =	vadd.s32 v1, v4;
	_ =	sdelay $0x1  }
0x1c: {  	v3 =	vadd.s32 v1, v3;
	_ =	sdelay $0x2  }
0x1d: {  	[tilespmem:s30], [sflag:$0x1] =	stream.indirect_vreg.gather [hbm4b:s1+s3], $0x80, v4, vm0, $0xb8;
	[tilespmem:$0x14500] =	vst v63  }
0x1e: {  	s0 =	simm.s32 $0xD00  }
0x1f: {  	[tilespmem:s0], [sflag:$0x1] =	stream.indirect_vreg.gather [hbm4b:s1+s3], $0x80, v3, vm0, $0xb8;
	[tilespmem:$0x14500] =	vst v63  }
0x20: {  	v3 =	vld [tilespmem:$0x10];
	_ =	sdelay $0x4  }
0x21: {  	v41 =	vshll.u32 v3, $0x1  }
0x22: {  	v3 =	vand.u32 $0x7, v3;
	v4 =	vand.u32 $0xFFFFFFF0, v41  }
0x23: {  	v3 =	vor.u32 v3, v4  }
0x24: {  	v4 =	vperm.xlane v3, v0;
	_ =	sdelay $0x1  }
0x25: {  	v3 =	vperm.xlane v3, v2;
	v4 =	vadd.s32 v1, v4;
	_ =	sdelay $0x1  }
0x26: {  	v3 =	vadd.s32 v1, v3;
	_ =	sdelay $0x1  }
0x27: {  	s25 =	simm.s32 $0x1500  }
0x28: {  	[tilespmem:s25], [sflag:$0x1] =	stream.indirect_vreg.gather [hbm4b:s1+s3], $0x80, v4, vm0, $0xb8;
	[tilespmem:$0x14500] =	vst v63  }
0x29: {  	s26 =	simm.s32 $0x1D00  }
0x2a: {  	[tilespmem:s26], [sflag:$0x1] =	stream.indirect_vreg.gather [hbm4b:s1+s3], $0x80, v3, vm0, $0xb8;
	[tilespmem:$0x14500] =	vst v63  }
0x2b: {  	v3 =	vld [tilespmem:$0x20];
	_ =	sdelay $0x4  }
0x2c: {  	v42 =	vshll.u32 v3, $0x1  }
0x2d: {  	v3 =	vand.u32 $0x7, v3;
	v4 =	vand.u32 $0xFFFFFFF0, v42  }
0x2e: {  	v3 =	vor.u32 v3, v4  }
0x2f: {  	v4 =	vperm.xlane v3, v0;
	_ =	sdelay $0x1  }
0x30: {  	v3 =	vperm.xlane v3, v2;
	v4 =	vadd.s32 v1, v4;
	_ =	sdelay $0x1  }
0x31: {  	v3 =	vadd.s32 v1, v3;
	_ =	sdelay $0x1  }
0x32: {  	s29 =	simm.s32 $0x2500  }
0x33: {  	[tilespmem:s29], [sflag:$0x1] =	stream.indirect_vreg.gather [hbm4b:s1+s3], $0x80, v4, vm0, $0xb8;
	[tilespmem:$0x14500] =	vst v63  }
0x34: {  	s31 =	simm.s32 $0x2D00  }
0x35: {  	[tilespmem:s31], [sflag:$0x1] =	stream.indirect_vreg.gather [hbm4b:s1+s3], $0x80, v3, vm0, $0xb8;
	[tilespmem:$0x14500] =	vst v63  }
0x36: {  	v3 =	vld [tilespmem:$0x30];
	_ =	sdelay $0x4  }
0x37: {  	v43 =	vshll.u32 v3, $0x1  }
0x38: {  	v3 =	vand.u32 $0x7, v3;
	v4 =	vand.u32 $0xFFFFFFF0, v43  }
0x39: {  	v3 =	vor.u32 v3, v4  }
0x3a: {  	v4 =	vperm.xlane v3, v0;
	_ =	sdelay $0x1  }
0x3b: {  	v3 =	vperm.xlane v3, v2;
	v4 =	vadd.s32 v1, v4;
	_ =	sdelay $0x1  }
0x3c: {  	v3 =	vadd.s32 v1, v3;
	_ =	sdelay $0x1  }
0x3d: {  	s7 =	simm.s32 $0x3500  }
0x3e: {  	[tilespmem:s7], [sflag:$0x1] =	stream.indirect_vreg.gather [hbm4b:s1+s3], $0x80, v4, vm0, $0xb8;
	[tilespmem:$0x14500] =	vst v63  }
0x3f: {  	s10 =	simm.s32 $0x3D00  }
0x40: {  	[tilespmem:s10], [sflag:$0x1] =	stream.indirect_vreg.gather [hbm4b:s1+s3], $0x80, v3, vm0, $0xb8;
	[tilespmem:$0x14500] =	vst v63  }
0x41: {  	v3 =	vld [tilespmem:$0x40];
	_ =	sdelay $0x4  }
0x42: {  	v44 =	vshll.u32 v3, $0x1  }
0x43: {  	v3 =	vand.u32 $0x7, v3;
	v4 =	vand.u32 $0xFFFFFFF0, v44  }
0x44: {  	v3 =	vor.u32 v3, v4  }
0x45: {  	v4 =	vperm.xlane v3, v0;
	_ =	sdelay $0x1  }
0x46: {  	v3 =	vperm.xlane v3, v2;
	v4 =	vadd.s32 v1, v4;
	_ =	sdelay $0x1  }
0x47: {  	v3 =	vadd.s32 v1, v3;
	_ =	sdelay $0x1  }
0x48: {  	s11 =	simm.s32 $0x4500  }
0x49: {  	[tilespmem:s11], [sflag:$0x1] =	stream.indirect_vreg.gather [hbm4b:s1+s3], $0x80, v4, vm0, $0xb8;
	[tilespmem:$0x14500] =	vst v63  }
0x4a: {  	s13 =	simm.s32 $0x4D00  }
0x4b: {  	[tilespmem:s13], [sflag:$0x1] =	stream.indirect_vreg.gather [hbm4b:s1+s3], $0x80, v3, vm0, $0xb8;
	[tilespmem:$0x14500] =	vst v63  }
0x4c: {  	v3 =	vld [tilespmem:$0x50];
	_ =	sdelay $0x4  }
0x4d: {  	v45 =	vshll.u32 v3, $0x1  }
0x4e: {  	v3 =	vand.u32 $0x7, v3;
	v4 =	vand.u32 $0xFFFFFFF0, v45  }
0x4f: {  	v3 =	vor.u32 v3, v4  }
0x50: {  	v4 =	vperm.xlane v3, v0;
	_ =	sdelay $0x1  }
0x51: {  	v3 =	vperm.xlane v3, v2;
	v4 =	vadd.s32 v1, v4;
	_ =	sdelay $0x1  }
0x52: {  	v3 =	vadd.s32 v1, v3;
	_ =	sdelay $0x1  }
0x53: {  	s14 =	simm.s32 $0x5500  }
0x54: {  	[tilespmem:s14], [sflag:$0x1] =	stream.indirect_vreg.gather [hbm4b:s1+s3], $0x80, v4, vm0, $0xb8;
	[tilespmem:$0x14500] =	vst v63  }
0x55: {  	s15 =	simm.s32 $0x5D00  }
0x56: {  	[tilespmem:s15], [sflag:$0x1] =	stream.indirect_vreg.gather [hbm4b:s1+s3], $0x80, v3, vm0, $0xb8;
	[tilespmem:$0x14500] =	vst v63  }
0x57: {  	v3 =	vld [tilespmem:$0x60];
	_ =	sdelay $0x4  }
0x58: {  	v46 =	vshll.u32 v3, $0x1  }
0x59: {  	v3 =	vand.u32 $0x7, v3;
	v4 =	vand.u32 $0xFFFFFFF0, v46  }
0x5a: {  	v3 =	vor.u32 v3, v4  }
0x5b: {  	v4 =	vperm.xlane v3, v0;
	_ =	sdelay $0x1  }
0x5c: {  	v3 =	vperm.xlane v3, v2;
	v4 =	vadd.s32 v1, v4;
	_ =	sdelay $0x1  }
0x5d: {  	v3 =	vadd.s32 v1, v3;
	_ =	sdelay $0x1  }
0x5e: {  	s16 =	simm.s32 $0x6500  }
0x5f: {  	[tilespmem:s16], [sflag:$0x1] =	stream.indirect_vreg.gather [hbm4b:s1+s3], $0x80, v4, vm0, $0xb8;
	[tilespmem:$0x14500] =	vst v63  }
0x60: {  	s17 =	simm.s32 $0x6D00  }
0x61: {  	[tilespmem:s17], [sflag:$0x1] =	stream.indirect_vreg.gather [hbm4b:s1+s3], $0x80, v3, vm0, $0xb8;
	[tilespmem:$0x14500] =	vst v63  }
0x62: {  	v3 =	vld [tilespmem:$0x70];
	_ =	sdelay $0x4  }
0x63: {  	v47 =	vshll.u32 v3, $0x1  }
0x64: {  	v3 =	vand.u32 $0x7, v3;
	v4 =	vand.u32 $0xFFFFFFF0, v47  }
0x65: {  	v3 =	vor.u32 v3, v4  }
0x66: {  	v4 =	vperm.xlane v3, v0;
	_ =	sdelay $0x1  }
0x67: {  	v3 =	vperm.xlane v3, v2;
	v4 =	vadd.s32 v1, v4;
	_ =	sdelay $0x1  }
0x68: {  	v3 =	vadd.s32 v1, v3;
	_ =	sdelay $0x1  }
0x69: {  	s18 =	simm.s32 $0x7500  }
0x6a: {  	[tilespmem:s18], [sflag:$0x1] =	stream.indirect_vreg.gather [hbm4b:s1+s3], $0x80, v4, vm0, $0xb8;
	[tilespmem:$0x14500] =	vst v63  }
0x6b: {  	s19 =	simm.s32 $0x7D00  }
0x6c: {  	[tilespmem:s19], [sflag:$0x1] =	stream.indirect_vreg.gather [hbm4b:s1+s3], $0x80, v3, vm0, $0xb8;
	[tilespmem:$0x14500] =	vst v63  }
0x6d: {  	v3 =	vld [tilespmem:$0x80];
	_ =	sdelay $0x4  }
0x6e: {  	v48 =	vshll.u32 v3, $0x1  }
0x6f: {  	v3 =	vand.u32 $0x7, v3;
	v4 =	vand.u32 $0xFFFFFFF0, v48  }
0x70: {  	v3 =	vor.u32 v3, v4  }
0x71: {  	v4 =	vperm.xlane v3, v0;
	_ =	sdelay $0x1  }
0x72: {  	v3 =	vperm.xlane v3, v2;
	v4 =	vadd.s32 v1, v4;
	_ =	sdelay $0x1  }
0x73: {  	v3 =	vadd.s32 v1, v3;
	_ =	sdelay $0x1  }
0x74: {  	s20 =	simm.s32 $0x8500  }
0x75: {  	[tilespmem:s20], [sflag:$0x1] =	stream.indirect_vreg.gather [hbm4b:s1+s3], $0x80, v4, vm0, $0xb8;
	[tilespmem:$0x14500] =	vst v63  }
0x76: {  	s23 =	simm.s32 $0x8D00  }
0x77: {  	[tilespmem:s23], [sflag:$0x1] =	stream.indirect_vreg.gather [hbm4b:s1+s3], $0x80, v3, vm0, $0xb8;
	[tilespmem:$0x14500] =	vst v63  }
0x78: {  	v3 =	vld [tilespmem:$0x90];
	_ =	sdelay $0x4  }
0x79: {  	v49 =	vshll.u32 v3, $0x1  }
0x7a: {  	v3 =	vand.u32 $0x7, v3;
	v4 =	vand.u32 $0xFFFFFFF0, v49  }
0x7b: {  	v3 =	vor.u32 v3, v4  }
0x7c: {  	v4 =	vperm.xlane v3, v0;
	_ =	sdelay $0x1  }
0x7d: {  	v3 =	vperm.xlane v3, v2;
	v4 =	vadd.s32 v1, v4;
	_ =	sdelay $0x1  }
0x7e: {  	v3 =	vadd.s32 v1, v3;
	_ =	sdelay $0x1  }
0x7f: {  	s24 =	simm.s32 $0x9500  }
0x80: {  	[tilespmem:s24], [sflag:$0x1] =	stream.indirect_vreg.gather [hbm4b:s1+s3], $0x80, v4, vm0, $0xb8;
	[tilespmem:$0x14500] =	vst v63  }
0x81: {  	s25 =	simm.s32 $0x9D00  }
0x82: {  	[tilespmem:s25], [sflag:$0x1] =	stream.indirect_vreg.gather [hbm4b:s1+s3], $0x80, v3, vm0, $0xb8;
	[tilespmem:$0x14500] =	vst v63  }
0x83: {  	v3 =	vld [tilespmem:$0xA0];
	_ =	sdelay $0x4  }
0x84: {  	v50 =	vshll.u32 v3, $0x1  }
0x85: {  	v3 =	vand.u32 $0x7, v3;
	v4 =	vand.u32 $0xFFFFFFF0, v50  }
0x86: {  	v3 =	vor.u32 v3, v4  }
0x87: {  	v4 =	vperm.xlane v3, v0;
	_ =	sdelay $0x1  }
0x88: {  	v3 =	vperm.xlane v3, v2;
	v4 =	vadd.s32 v1, v4;
	_ =	sdelay $0x1  }
0x89: {  	v3 =	vadd.s32 v1, v3;
	_ =	sdelay $0x2  }
0x8a: {  	[tilespmem:s28], [sflag:$0x2] =	stream.indirect_vreg.gather [hbm4b:s1+s3], $0x80, v4, vm0, $0xb8;
	[tilespmem:$0x14500] =	vst v63  }
0x8b: {  	s26 =	simm.s32 $0xAD00  }
0x8c: {  	[tilespmem:s26], [sflag:$0x2] =	stream.indirect_vreg.gather [hbm4b:s1+s3], $0x80, v3, vm0, $0xb8;
	[tilespmem:$0x14500] =	vst v63  }
0x8d: {  	v3 =	vld [tilespmem:$0xB0];
	_ =	sdelay $0x4  }
0x8e: {  	v51 =	vshll.u32 v3, $0x1  }
0x8f: {  	v3 =	vand.u32 $0x7, v3;
	v4 =	vand.u32 $0xFFFFFFF0, v51  }
0x90: {  	v3 =	vor.u32 v3, v4  }
0x91: {  	v4 =	vperm.xlane v3, v0;
	_ =	sdelay $0x1  }
0x92: {  	v3 =	vperm.xlane v3, v2;
	v4 =	vadd.s32 v1, v4;
	_ =	sdelay $0x1  }
0x93: {  	v3 =	vadd.s32 v1, v3;
	_ =	sdelay $0x1  }
0x94: {  	s29 =	simm.s32 $0xB500  }
0x95: {  	[tilespmem:s29], [sflag:$0x2] =	stream.indirect_vreg.gather [hbm4b:s1+s3], $0x80, v4, vm0, $0xb8;
	[tilespmem:$0x14500] =	vst v63  }
0x96: {  	s31 =	simm.s32 $0xBD00  }
0x97: {  	[tilespmem:s31], [sflag:$0x2] =	stream.indirect_vreg.gather [hbm4b:s1+s3], $0x80, v3, vm0, $0xb8;
	[tilespmem:$0x14500] =	vst v63  }
0x98: {  	v3 =	vld [tilespmem:$0xC0];
	_ =	sdelay $0x4  }
0x99: {  	v52 =	vshll.u32 v3, $0x1  }
0x9a: {  	v3 =	vand.u32 $0x7, v3;
	v4 =	vand.u32 $0xFFFFFFF0, v52  }
0x9b: {  	v3 =	vor.u32 v3, v4  }
0x9c: {  	v4 =	vperm.xlane v3, v0;
	_ =	sdelay $0x1  }
0x9d: {  	v3 =	vperm.xlane v3, v2;
	v4 =	vadd.s32 v1, v4;
	_ =	sdelay $0x1  }
0x9e: {  	v3 =	vadd.s32 v1, v3;
	_ =	sdelay $0x1  }
0x9f: {  	s13 =	simm.s32 $0xC500  }
0xa0: {  	[tilespmem:s13], [sflag:$0x2] =	stream.indirect_vreg.gather [hbm4b:s1+s3], $0x80, v4, vm0, $0xb8;
	[tilespmem:$0x14500] =	vst v63  }
0xa1: {  	s14 =	simm.s32 $0xCD00  }
0xa2: {  	[tilespmem:s14], [sflag:$0x2] =	stream.indirect_vreg.gather [hbm4b:s1+s3], $0x80, v3, vm0, $0xb8;
	[tilespmem:$0x14500] =	vst v63  }
0xa3: {  	v3 =	vld [tilespmem:$0xD0];
	_ =	sdelay $0x4  }
0xa4: {  	v53 =	vshll.u32 v3, $0x1  }
0xa5: {  	v3 =	vand.u32 $0x7, v3;
	v4 =	vand.u32 $0xFFFFFFF0, v53  }
0xa6: {  	v3 =	vor.u32 v3, v4  }
0xa7: {  	v4 =	vperm.xlane v3, v0;
	_ =	sdelay $0x1  }
0xa8: {  	v3 =	vperm.xlane v3, v2;
	v4 =	vadd.s32 v1, v4;
	_ =	sdelay $0x1  }
0xa9: {  	v3 =	vadd.s32 v1, v3;
	_ =	sdelay $0x1  }
0xaa: {  	s15 =	simm.s32 $0xD500  }
0xab: {  	[tilespmem:s15], [sflag:$0x2] =	stream.indirect_vreg.gather [hbm4b:s1+s3], $0x80, v4, vm0, $0xb8;
	[tilespmem:$0x14500] =	vst v63  }
0xac: {  	s16 =	simm.s32 $0xDD00  }
0xad: {  	[tilespmem:s16], [sflag:$0x2] =	stream.indirect_vreg.gather [hbm4b:s1+s3], $0x80, v3, vm0, $0xb8;
	[tilespmem:$0x14500] =	vst v63  }
0xae: {  	v3 =	vld [tilespmem:$0xE0];
	_ =	sdelay $0x4  }
0xaf: {  	v54 =	vshll.u32 v3, $0x1  }
0xb0: {  	v3 =	vand.u32 $0x7, v3;
	v4 =	vand.u32 $0xFFFFFFF0, v54  }
0xb1: {  	v3 =	vor.u32 v3, v4  }
0xb2: {  	v4 =	vperm.xlane v3, v0;
	_ =	sdelay $0x1  }
0xb3: {  	v3 =	vperm.xlane v3, v2;
	v4 =	vadd.s32 v1, v4;
	_ =	sdelay $0x1  }
0xb4: {  	v3 =	vadd.s32 v1, v3;
	_ =	sdelay $0x1  }
0xb5: {  	s17 =	simm.s32 $0xE500  }
0xb6: {  	[tilespmem:s17], [sflag:$0x2] =	stream.indirect_vreg.gather [hbm4b:s1+s3], $0x80, v4, vm0, $0xb8;
	[tilespmem:$0x14500] =	vst v63  }
0xb7: {  	s18 =	simm.s32 $0xED00  }
0xb8: {  	[tilespmem:s18], [sflag:$0x2] =	stream.indirect_vreg.gather [hbm4b:s1+s3], $0x80, v3, vm0, $0xb8;
	[tilespmem:$0x14500] =	vst v63  }
0xb9: {  	v3 =	vld [tilespmem:$0xF0];
	_ =	sdelay $0x4  }
0xba: {  	v55 =	vshll.u32 v3, $0x1  }
0xbb: {  	v3 =	vand.u32 $0x7, v3;
	v4 =	vand.u32 $0xFFFFFFF0, v55  }
0xbc: {  	v3 =	vor.u32 v3, v4  }
0xbd: {  	v4 =	vperm.xlane v3, v0;
	_ =	sdelay $0x1  }
0xbe: {  	v3 =	vperm.xlane v3, v2;
	v4 =	vadd.s32 v1, v4;
	_ =	sdelay $0x1  }
0xbf: {  	v3 =	vadd.s32 v1, v3;
	_ =	sdelay $0x1  }
0xc0: {  	s19 =	simm.s32 $0xF500  }
0xc1: {  	[tilespmem:s19], [sflag:$0x2] =	stream.indirect_vreg.gather [hbm4b:s1+s3], $0x80, v4, vm0, $0xb8;
	[tilespmem:$0x14500] =	vst v63  }
0xc2: {  	s20 =	simm.s32 $0xFD00  }
0xc3: {  	[tilespmem:s20], [sflag:$0x2] =	stream.indirect_vreg.gather [hbm4b:s1+s3], $0x80, v3, vm0, $0xb8;
	[tilespmem:$0x14500] =	vst v63  }
0xc4: {  	v3 =	vld [tilespmem:$0x100];
	_ =	sdelay $0x4  }
0xc5: {  	v56 =	vshll.u32 v3, $0x1  }
0xc6: {  	v3 =	vand.u32 $0x7, v3;
	v4 =	vand.u32 $0xFFFFFFF0, v56  }
0xc7: {  	v3 =	vor.u32 v3, v4  }
0xc8: {  	v4 =	vperm.xlane v3, v0;
	_ =	sdelay $0x1  }
0xc9: {  	v3 =	vperm.xlane v3, v2;
	v4 =	vadd.s32 v1, v4;
	_ =	sdelay $0x1  }
0xca: {  	v3 =	vadd.s32 v1, v3;
	_ =	sdelay $0x1  }
0xcb: {  	s24 =	simm.s32 $0x10500  }
0xcc: {  	[tilespmem:s24], [sflag:$0x2] =	stream.indirect_vreg.gather [hbm4b:s1+s3], $0x80, v4, vm0, $0xb8;
	[tilespmem:$0x14500] =	vst v63  }
0xcd: {  	s25 =	simm.s32 $0x10D00  }
0xce: {  	[tilespmem:s25], [sflag:$0x2] =	stream.indirect_vreg.gather [hbm4b:s1+s3], $0x80, v3, vm0, $0xb8;
	[tilespmem:$0x14500] =	vst v63  }
0xcf: {  	v3 =	vld [tilespmem:$0x110];
	_ =	sdelay $0x4  }
0xd0: {  	v57 =	vshll.u32 v3, $0x1  }
0xd1: {  	v3 =	vand.u32 $0x7, v3;
	v4 =	vand.u32 $0xFFFFFFF0, v57  }
0xd2: {  	v3 =	vor.u32 v3, v4  }
0xd3: {  	v4 =	vperm.xlane v3, v0;
	_ =	sdelay $0x1  }
0xd4: {  	v3 =	vperm.xlane v3, v2;
	v4 =	vadd.s32 v1, v4;
	_ =	sdelay $0x1  }
0xd5: {  	v3 =	vadd.s32 v1, v3;
	_ =	sdelay $0x1  }
0xd6: {  	s0 =	simm.s32 $0x11500  }
0xd7: {  	[tilespmem:s0], [sflag:$0x2] =	stream.indirect_vreg.gather [hbm4b:s1+s3], $0x80, v4, vm0, $0xb8;
	[tilespmem:$0x14500] =	vst v63  }
0xd8: {  	s13 =	simm.s32 $0x11D00  }
0xd9: {  	[tilespmem:s13], [sflag:$0x2] =	stream.indirect_vreg.gather [hbm4b:s1+s3], $0x80, v3, vm0, $0xb8;
	[tilespmem:$0x14500] =	vst v63  }
0xda: {  	v3 =	vld [tilespmem:$0x120];
	_ =	sdelay $0x4  }
0xdb: {  	v58 =	vshll.u32 v3, $0x1  }
0xdc: {  	v3 =	vand.u32 $0x7, v3;
	v4 =	vand.u32 $0xFFFFFFF0, v58  }
0xdd: {  	v3 =	vor.u32 v3, v4  }
0xde: {  	v4 =	vperm.xlane v3, v0;
	_ =	sdelay $0x1  }
0xdf: {  	v3 =	vperm.xlane v3, v2;
	v4 =	vadd.s32 v1, v4;
	_ =	sdelay $0x1  }
0xe0: {  	v3 =	vadd.s32 v1, v3;
	_ =	sdelay $0x1  }
0xe1: {  	s14 =	simm.s32 $0x12500  }
0xe2: {  	[tilespmem:s14], [sflag:$0x2] =	stream.indirect_vreg.gather [hbm4b:s1+s3], $0x80, v4, vm0, $0xb8;
	[tilespmem:$0x14500] =	vst v63  }
0xe3: {  	s15 =	simm.s32 $0x12D00  }
0xe4: {  	[tilespmem:s15], [sflag:$0x2] =	stream.indirect_vreg.gather [hbm4b:s1+s3], $0x80, v3, vm0, $0xb8;
	[tilespmem:$0x14500] =	vst v63  }
0xe5: {  	v3 =	vld [tilespmem:$0x130];
	_ =	sdelay $0x4  }
0xe6: {  	v59 =	vshll.u32 v3, $0x1  }
0xe7: {  	v3 =	vand.u32 $0x7, v3;
	v4 =	vand.u32 $0xFFFFFFF0, v59  }
0xe8: {  	v3 =	vor.u32 v3, v4  }
0xe9: {  	v4 =	vperm.xlane v3, v0;
	_ =	sdelay $0x1  }
0xea: {  	v3 =	vperm.xlane v3, v2;
	v4 =	vadd.s32 v1, v4;
	_ =	sdelay $0x1  }
0xeb: {  	v3 =	vadd.s32 v1, v3;
	_ =	sdelay $0x1  }
0xec: {  	s16 =	simm.s32 $0x13500  }
0xed: {  	[tilespmem:s16], [sflag:$0x2] =	stream.indirect_vreg.gather [hbm4b:s1+s3], $0x80, v4, vm0, $0xb8;
	[tilespmem:$0x14500] =	vst v63  }
0xee: {  	s25 =	simm.s32 $0x13D00  }
0xef: {  	[tilespmem:s25], [sflag:$0x2] =	stream.indirect_vreg.gather [hbm4b:s1+s3], $0x80, v3, vm0, $0xb8;
	[tilespmem:$0x14500] =	vst v63  }
0xf0: {  	_ =	swait.ge [sflag:s21], $0xA000  }
0xf1: {  	[sflag:s21] =	ssyncset.done $0x0  }
0xf2: {  	s0 =	rddreg [dreg:$0xc];
	[sflag:s21] =	ssyncadd.s32 $0xFFFF6000  }
0xf3: {  	[hbm4b:s0+s3] =	stream.linear.scatter [tilespmem:s30], [sflag:$0x3], $0xA000, $0x38;
	[tilespmem:$0x14500] =	vst v63  }
0xf4: {  	_ =	swait.ge [sflag:s6], $0xA000  }
0xf5: {  	[sflag:s6] =	ssyncset.done $0x0  }
0xf6: {  	[sflag:s6] =	ssyncadd.s32 $0xFFFF6000  }
0xf7: {  	v3 =	vld [tilespmem:$0x140];
	_ =	sdelay $0x4  }
0xf8: {  	v60 =	vshll.u32 v3, $0x1  }
0xf9: {  	v3 =	vand.u32 $0x7, v3;
	v4 =	vand.u32 $0xFFFFFFF0, v60  }
0xfa: {  	v3 =	vor.u32 v3, v4  }
0xfb: {  	v4 =	vperm.xlane v3, v0;
	_ =	sdelay $0x1  }
0xfc: {  	v3 =	vperm.xlane v3, v2;
	v4 =	vadd.s32 v1, v4;
	_ =	sdelay $0x1  }
0xfd: {  	v3 =	vadd.s32 v1, v3;
	_ =	sdelay $0x2  }
0xfe: {  	[tilespmem:s30], [sflag:$0x1] =	stream.indirect_vreg.gather [hbm4b:s1+s3], $0x80, v4, vm0, $0xb8;
	[tilespmem:$0x14500] =	vst v63  }
0xff: {  	s8 =	simm.s32 $0xD00  }
0x100: {  	[tilespmem:s8], [sflag:$0x1] =	stream.indirect_vreg.gather [hbm4b:s1+s3], $0x80, v3, vm0, $0xb8;
	[tilespmem:$0x14500] =	vst v63  }
0x101: {  	v3 =	vld [tilespmem:$0x150];
	_ =	sdelay $0x4  }
0x102: {  	v61 =	vshll.u32 v3, $0x1  }
0x103: {  	v3 =	vand.u32 $0x7, v3;
	v4 =	vand.u32 $0xFFFFFFF0, v61  }
0x104: {  	v3 =	vor.u32 v3, v4  }
0x105: {  	v4 =	vperm.xlane v3, v0;
	_ =	sdelay $0x1  }
0x106: {  	v3 =	vperm.xlane v3, v2;
	v4 =	vadd.s32 v1, v4;
	_ =	sdelay $0x1  }
0x107: {  	v3 =	vadd.s32 v1, v3;
	_ =	sdelay $0x1  }
0x108: {  	s2 =	simm.s32 $0x1500  }
0x109: {  	[tilespmem:s2], [sflag:$0x1] =	stream.indirect_vreg.gather [hbm4b:s1+s3], $0x80, v4, vm0, $0xb8;
	[tilespmem:$0x14500] =	vst v63  }
0x10a: {  	s9 =	simm.s32 $0x1D00  }
0x10b: {  	[tilespmem:s9], [sflag:$0x1] =	stream.indirect_vreg.gather [hbm4b:s1+s3], $0x80, v3, vm0, $0xb8;
	[tilespmem:$0x14500] =	vst v63  }
0x10c: {  	v3 =	vld [tilespmem:$0x160];
	_ =	sdelay $0x4  }
0x10d: {  	v62 =	vshll.u32 v3, $0x1  }
0x10e: {  	v3 =	vand.u32 $0x7, v3;
	v4 =	vand.u32 $0xFFFFFFF0, v62  }
0x10f: {  	v3 =	vor.u32 v3, v4  }
0x110: {  	v4 =	vperm.xlane v3, v0;
	_ =	sdelay $0x1  }
0x111: {  	v3 =	vperm.xlane v3, v2;
	v4 =	vadd.s32 v1, v4;
	_ =	sdelay $0x1  }
0x112: {  	v3 =	vadd.s32 v1, v3;
	_ =	sdelay $0x1  }
0x113: {  	s4 =	simm.s32 $0x2500  }
0x114: {  	[tilespmem:s4], [sflag:$0x1] =	stream.indirect_vreg.gather [hbm4b:s1+s3], $0x80, v4, vm0, $0xb8;
	[tilespmem:$0x14500] =	vst v63  }
0x115: {  	s12 =	simm.s32 $0x2D00  }
0x116: {  	[tilespmem:s12], [sflag:$0x1] =	stream.indirect_vreg.gather [hbm4b:s1+s3], $0x80, v3, vm0, $0xb8;
	[tilespmem:$0x14500] =	vst v63  }
0x117: {  	v3 =	vld [tilespmem:$0x170];
	_ =	sdelay $0x4  }
0x118: {  	v63 =	vshll.u32 v3, $0x1  }
0x119: {  	v3 =	vand.u32 $0x7, v3;
	v4 =	vand.u32 $0xFFFFFFF0, v63  }
0x11a: {  	v3 =	vor.u32 v3, v4  }
0x11b: {  	v4 =	vperm.xlane v3, v0;
	_ =	sdelay $0x1  }
0x11c: {  	v3 =	vperm.xlane v3, v2;
	v4 =	vadd.s32 v1, v4;
	_ =	sdelay $0x1  }
0x11d: {  	v3 =	vadd.s32 v1, v3;
	_ =	sdelay $0x1  }
0x11e: {  	s7 =	simm.s32 $0x3500  }
0x11f: {  	[tilespmem:s7], [sflag:$0x1] =	stream.indirect_vreg.gather [hbm4b:s1+s3], $0x80, v4, vm0, $0xb8;
	[tilespmem:$0x14500] =	vst v63  }
0x120: {  	s10 =	simm.s32 $0x3D00  }
0x121: {  	[tilespmem:s10], [sflag:$0x1] =	stream.indirect_vreg.gather [hbm4b:s1+s3], $0x80, v3, vm0, $0xb8;
	[tilespmem:$0x14500] =	vst v63  }
0x122: {  	v3 =	vld [tilespmem:$0x180];
	_ =	sdelay $0x4  }
0x123: {  	v8 =	vshll.u32 v3, $0x1  }
0x124: {  	v3 =	vand.u32 $0x7, v3;
	v4 =	vand.u32 $0xFFFFFFF0, v8  }
0x125: {  	v3 =	vor.u32 v3, v4  }
0x126: {  	v4 =	vperm.xlane v3, v0;
	_ =	sdelay $0x1  }
0x127: {  	v3 =	vperm.xlane v3, v2;
	v4 =	vadd.s32 v1, v4;
	_ =	sdelay $0x1  }
0x128: {  	v3 =	vadd.s32 v1, v3;
	_ =	sdelay $0x1  }
0x129: {  	s4 =	simm.s32 $0x4500  }
0x12a: {  	[tilespmem:s4], [sflag:$0x1] =	stream.indirect_vreg.gather [hbm4b:s1+s3], $0x80, v4, vm0, $0xb8;
	[tilespmem:$0x14500] =	vst v63  }
0x12b: {  	s11 =	simm.s32 $0x4D00  }
0x12c: {  	[tilespmem:s11], [sflag:$0x1] =	stream.indirect_vreg.gather [hbm4b:s1+s3], $0x80, v3, vm0, $0xb8;
	[tilespmem:$0x14500] =	vst v63  }
0x12d: {  	v3 =	vld [tilespmem:$0x190];
	_ =	sdelay $0x4  }
0x12e: {  	v9 =	vshll.u32 v3, $0x1  }
0x12f: {  	v3 =	vand.u32 $0x7, v3;
	v4 =	vand.u32 $0xFFFFFFF0, v9  }
0x130: {  	v3 =	vor.u32 v3, v4  }
0x131: {  	v4 =	vperm.xlane v3, v0;
	_ =	sdelay $0x1  }
0x132: {  	v3 =	vperm.xlane v3, v2;
	v4 =	vadd.s32 v1, v4;
	_ =	sdelay $0x1  }
0x133: {  	v3 =	vadd.s32 v1, v3;
	_ =	sdelay $0x1  }
0x134: {  	s7 =	simm.s32 $0x5500  }
0x135: {  	[tilespmem:s7], [sflag:$0x1] =	stream.indirect_vreg.gather [hbm4b:s1+s3], $0x80, v4, vm0, $0xb8;
	[tilespmem:$0x14500] =	vst v63  }
0x136: {  	s12 =	simm.s32 $0x5D00  }
0x137: {  	[tilespmem:s12], [sflag:$0x1] =	stream.indirect_vreg.gather [hbm4b:s1+s3], $0x80, v3, vm0, $0xb8;
	[tilespmem:$0x14500] =	vst v63  }
0x138: {  	v3 =	vld [tilespmem:$0x1A0];
	_ =	sdelay $0x4  }
0x139: {  	v10 =	vshll.u32 v3, $0x1  }
0x13a: {  	v3 =	vand.u32 $0x7, v3;
	v4 =	vand.u32 $0xFFFFFFF0, v10  }
0x13b: {  	v3 =	vor.u32 v3, v4  }
0x13c: {  	v4 =	vperm.xlane v3, v0;
	_ =	sdelay $0x1  }
0x13d: {  	v3 =	vperm.xlane v3, v2;
	v4 =	vadd.s32 v1, v4;
	_ =	sdelay $0x1  }
0x13e: {  	v3 =	vadd.s32 v1, v3;
	_ =	sdelay $0x1  }
0x13f: {  	s8 =	simm.s32 $0x6500  }
0x140: {  	[tilespmem:s8], [sflag:$0x1] =	stream.indirect_vreg.gather [hbm4b:s1+s3], $0x80, v4, vm0, $0xb8;
	[tilespmem:$0x14500] =	vst v63  }
0x141: {  	s13 =	simm.s32 $0x6D00  }
0x142: {  	[tilespmem:s13], [sflag:$0x1] =	stream.indirect_vreg.gather [hbm4b:s1+s3], $0x80, v3, vm0, $0xb8;
	[tilespmem:$0x14500] =	vst v63  }
0x143: {  	v3 =	vld [tilespmem:$0x1B0];
	_ =	sdelay $0x4  }
0x144: {  	v11 =	vshll.u32 v3, $0x1  }
0x145: {  	v3 =	vand.u32 $0x7, v3;
	v4 =	vand.u32 $0xFFFFFFF0, v11  }
0x146: {  	v3 =	vor.u32 v3, v4  }
0x147: {  	v4 =	vperm.xlane v3, v0;
	_ =	sdelay $0x1  }
0x148: {  	v3 =	vperm.xlane v3, v2;
	v4 =	vadd.s32 v1, v4;
	_ =	sdelay $0x1  }
0x149: {  	v3 =	vadd.s32 v1, v3;
	_ =	sdelay $0x1  }
0x14a: {  	s9 =	simm.s32 $0x7500  }
0x14b: {  	[tilespmem:s9], [sflag:$0x1] =	stream.indirect_vreg.gather [hbm4b:s1+s3], $0x80, v4, vm0, $0xb8;
	[tilespmem:$0x14500] =	vst v63  }
0x14c: {  	s14 =	simm.s32 $0x7D00  }
0x14d: {  	[tilespmem:s14], [sflag:$0x1] =	stream.indirect_vreg.gather [hbm4b:s1+s3], $0x80, v3, vm0, $0xb8;
	[tilespmem:$0x14500] =	vst v63  }
0x14e: {  	v3 =	vld [tilespmem:$0x1C0];
	_ =	sdelay $0x4  }
0x14f: {  	v12 =	vshll.u32 v3, $0x1  }
0x150: {  	v3 =	vand.u32 $0x7, v3;
	v4 =	vand.u32 $0xFFFFFFF0, v12  }
0x151: {  	v3 =	vor.u32 v3, v4  }
0x152: {  	v4 =	vperm.xlane v3, v0;
	_ =	sdelay $0x1  }
0x153: {  	v3 =	vperm.xlane v3, v2;
	v4 =	vadd.s32 v1, v4;
	_ =	sdelay $0x1  }
0x154: {  	v3 =	vadd.s32 v1, v3;
	_ =	sdelay $0x1  }
0x155: {  	s10 =	simm.s32 $0x8500  }
0x156: {  	[tilespmem:s10], [sflag:$0x1] =	stream.indirect_vreg.gather [hbm4b:s1+s3], $0x80, v4, vm0, $0xb8;
	[tilespmem:$0x14500] =	vst v63  }
0x157: {  	s15 =	simm.s32 $0x8D00  }
0x158: {  	[tilespmem:s15], [sflag:$0x1] =	stream.indirect_vreg.gather [hbm4b:s1+s3], $0x80, v3, vm0, $0xb8;
	[tilespmem:$0x14500] =	vst v63  }
0x159: {  	v3 =	vld [tilespmem:$0x1D0];
	_ =	sdelay $0x4  }
0x15a: {  	v13 =	vshll.u32 v3, $0x1  }
0x15b: {  	v3 =	vand.u32 $0x7, v3;
	v4 =	vand.u32 $0xFFFFFFF0, v13  }
0x15c: {  	v3 =	vor.u32 v3, v4  }
0x15d: {  	v4 =	vperm.xlane v3, v0;
	_ =	sdelay $0x1  }
0x15e: {  	v3 =	vperm.xlane v3, v2;
	v4 =	vadd.s32 v1, v4;
	_ =	sdelay $0x1  }
0x15f: {  	v3 =	vadd.s32 v1, v3;
	_ =	sdelay $0x1  }
0x160: {  	s11 =	simm.s32 $0x9500  }
0x161: {  	[tilespmem:s11], [sflag:$0x1] =	stream.indirect_vreg.gather [hbm4b:s1+s3], $0x80, v4, vm0, $0xb8;
	[tilespmem:$0x14500] =	vst v63  }
0x162: {  	s16 =	simm.s32 $0x9D00  }
0x163: {  	[tilespmem:s16], [sflag:$0x1] =	stream.indirect_vreg.gather [hbm4b:s1+s3], $0x80, v3, vm0, $0xb8;
	[tilespmem:$0x14500] =	vst v63  }
0x164: {  	_ =	swait.ge [sflag:s22], $0xA000  }
0x165: {  	[sflag:s22] =	ssyncset.done $0x0  }
0x166: {  	s2 =	rddreg [dreg:$0x5];
	[sflag:s22] =	ssyncadd.s32 $0xFFFF6000  }
0x167: {  	[hbm4b:s2+s3] =	stream.linear.scatter [tilespmem:s28], [sflag:$0x3], $0xA000, $0x38;
	[tilespmem:$0x14500] =	vst v63  }
0x168: {  	_ =	swait.ge [sflag:s6], $0xA000  }
0x169: {  	[sflag:s6] =	ssyncset.done $0x0  }
0x16a: {  	[sflag:s6] =	ssyncadd.s32 $0xFFFF6000  }
0x16b: {  	v3 =	vld [tilespmem:$0x1E0];
	_ =	sdelay $0x4  }
0x16c: {  	v14 =	vshll.u32 v3, $0x1  }
0x16d: {  	v3 =	vand.u32 $0x7, v3;
	v4 =	vand.u32 $0xFFFFFFF0, v14  }
0x16e: {  	v3 =	vor.u32 v3, v4  }
0x16f: {  	v4 =	vperm.xlane v3, v0;
	_ =	sdelay $0x1  }
0x170: {  	v3 =	vperm.xlane v3, v2;
	v4 =	vadd.s32 v1, v4;
	_ =	sdelay $0x1  }
0x171: {  	v3 =	vadd.s32 v1, v3;
	_ =	sdelay $0x2  }
0x172: {  	[tilespmem:s28], [sflag:$0x2] =	stream.indirect_vreg.gather [hbm4b:s1+s3], $0x80, v4, vm0, $0xb8;
	[tilespmem:$0x14500] =	vst v63  }
0x173: {  	s2 =	simm.s32 $0xAD00  }
0x174: {  	[tilespmem:s2], [sflag:$0x2] =	stream.indirect_vreg.gather [hbm4b:s1+s3], $0x80, v3, vm0, $0xb8;
	[tilespmem:$0x14500] =	vst v63  }
0x175: {  	v3 =	vld [tilespmem:$0x1F0];
	_ =	sdelay $0x4  }
0x176: {  	v15 =	vshll.u32 v3, $0x1  }
0x177: {  	v3 =	vand.u32 $0x7, v3;
	v4 =	vand.u32 $0xFFFFFFF0, v15  }
0x178: {  	v3 =	vor.u32 v3, v4  }
0x179: {  	v4 =	vperm.xlane v3, v0;
	_ =	sdelay $0x1  }
0x17a: {  	v3 =	vperm.xlane v3, v2;
	v4 =	vadd.s32 v1, v4;
	_ =	sdelay $0x1  }
0x17b: {  	v3 =	vadd.s32 v1, v3;
	_ =	sdelay $0x1  }
0x17c: {  	s0 =	simm.s32 $0xB500  }
0x17d: {  	[tilespmem:s0], [sflag:$0x2] =	stream.indirect_vreg.gather [hbm4b:s1+s3], $0x80, v4, vm0, $0xb8;
	[tilespmem:$0x14500] =	vst v63  }
0x17e: {  	s29 =	simm.s32 $0xBD00  }
0x17f: {  	[tilespmem:s29], [sflag:$0x2] =	stream.indirect_vreg.gather [hbm4b:s1+s3], $0x80, v3, vm0, $0xb8;
	[tilespmem:$0x14500] =	vst v63  }
0x180: {  	v3 =	vld [tilespmem:$0x200];
	_ =	sdelay $0x4  }
0x181: {  	v16 =	vshll.u32 v3, $0x1  }
0x182: {  	v3 =	vand.u32 $0x7, v3;
	v4 =	vand.u32 $0xFFFFFFF0, v16  }
0x183: {  	v3 =	vor.u32 v3, v4  }
0x184: {  	v4 =	vperm.xlane v3, v0;
	_ =	sdelay $0x1  }
0x185: {  	v3 =	vperm.xlane v3, v2;
	v4 =	vadd.s32 v1, v4;
	_ =	sdelay $0x1  }
0x186: {  	v3 =	vadd.s32 v1, v3;
	_ =	sdelay $0x1  }
0x187: {  	s29 =	simm.s32 $0xC500  }
0x188: {  	[tilespmem:s29], [sflag:$0x2] =	stream.indirect_vreg.gather [hbm4b:s1+s3], $0x80, v4, vm0, $0xb8;
	[tilespmem:$0x14500] =	vst v63  }
0x189: {  	s26 =	simm.s32 $0xCD00  }
0x18a: {  	[tilespmem:s26], [sflag:$0x2] =	stream.indirect_vreg.gather [hbm4b:s1+s3], $0x80, v3, vm0, $0xb8;
	[tilespmem:$0x14500] =	vst v63  }
0x18b: {  	v3 =	vld [tilespmem:$0x210];
	_ =	sdelay $0x4  }
0x18c: {  	v17 =	vshll.u32 v3, $0x1  }
0x18d: {  	v3 =	vand.u32 $0x7, v3;
	v4 =	vand.u32 $0xFFFFFFF0, v17  }
0x18e: {  	v3 =	vor.u32 v3, v4  }
0x18f: {  	v4 =	vperm.xlane v3, v0;
	_ =	sdelay $0x1  }
0x190: {  	v3 =	vperm.xlane v3, v2;
	v4 =	vadd.s32 v1, v4;
	_ =	sdelay $0x1  }
0x191: {  	v3 =	vadd.s32 v1, v3;
	_ =	sdelay $0x1  }
0x192: {  	s26 =	simm.s32 $0xD500  }
0x193: {  	[tilespmem:s26], [sflag:$0x2] =	stream.indirect_vreg.gather [hbm4b:s1+s3], $0x80, v4, vm0, $0xb8;
	[tilespmem:$0x14500] =	vst v63  }
0x194: {  	s31 =	simm.s32 $0xDD00  }
0x195: {  	[tilespmem:s31], [sflag:$0x2] =	stream.indirect_vreg.gather [hbm4b:s1+s3], $0x80, v3, vm0, $0xb8;
	[tilespmem:$0x14500] =	vst v63  }
0x196: {  	v3 =	vld [tilespmem:$0x220];
	_ =	sdelay $0x4  }
0x197: {  	v18 =	vshll.u32 v3, $0x1  }
0x198: {  	v3 =	vand.u32 $0x7, v3;
	v4 =	vand.u32 $0xFFFFFFF0, v18  }
0x199: {  	v3 =	vor.u32 v3, v4  }
0x19a: {  	v4 =	vperm.xlane v3, v0;
	_ =	sdelay $0x1  }
0x19b: {  	v3 =	vperm.xlane v3, v2;
	v4 =	vadd.s32 v1, v4;
	_ =	sdelay $0x1  }
0x19c: {  	v3 =	vadd.s32 v1, v3;
	_ =	sdelay $0x1  }
0x19d: {  	s31 =	simm.s32 $0xE500  }
0x19e: {  	[tilespmem:s31], [sflag:$0x2] =	stream.indirect_vreg.gather [hbm4b:s1+s3], $0x80, v4, vm0, $0xb8;
	[tilespmem:$0x14500] =	vst v63  }
0x19f: {  	s17 =	simm.s32 $0xED00  }
0x1a0: {  	[tilespmem:s17], [sflag:$0x2] =	stream.indirect_vreg.gather [hbm4b:s1+s3], $0x80, v3, vm0, $0xb8;
	[tilespmem:$0x14500] =	vst v63  }
0x1a1: {  	v3 =	vld [tilespmem:$0x230];
	_ =	sdelay $0x4  }
0x1a2: {  	v19 =	vshll.u32 v3, $0x1  }
0x1a3: {  	v3 =	vand.u32 $0x7, v3;
	v4 =	vand.u32 $0xFFFFFFF0, v19  }
0x1a4: {  	v3 =	vor.u32 v3, v4  }
0x1a5: {  	v4 =	vperm.xlane v3, v0;
	_ =	sdelay $0x1  }
0x1a6: {  	v3 =	vperm.xlane v3, v2;
	v4 =	vadd.s32 v1, v4;
	_ =	sdelay $0x1  }
0x1a7: {  	v3 =	vadd.s32 v1, v3;
	_ =	sdelay $0x1  }
0x1a8: {  	s23 =	simm.s32 $0xF500  }
0x1a9: {  	[tilespmem:s23], [sflag:$0x2] =	stream.indirect_vreg.gather [hbm4b:s1+s3], $0x80, v4, vm0, $0xb8;
	[tilespmem:$0x14500] =	vst v63  }
0x1aa: {  	s18 =	simm.s32 $0xFD00  }
0x1ab: {  	[tilespmem:s18], [sflag:$0x2] =	stream.indirect_vreg.gather [hbm4b:s1+s3], $0x80, v3, vm0, $0xb8;
	[tilespmem:$0x14500] =	vst v63  }
0x1ac: {  	v3 =	vld [tilespmem:$0x240];
	_ =	sdelay $0x4  }
0x1ad: {  	v20 =	vshll.u32 v3, $0x1  }
0x1ae: {  	v3 =	vand.u32 $0x7, v3;
	v4 =	vand.u32 $0xFFFFFFF0, v20  }
0x1af: {  	v3 =	vor.u32 v3, v4  }
0x1b0: {  	v4 =	vperm.xlane v3, v0;
	_ =	sdelay $0x1  }
0x1b1: {  	v3 =	vperm.xlane v3, v2;
	v4 =	vadd.s32 v1, v4;
	_ =	sdelay $0x1  }
0x1b2: {  	v3 =	vadd.s32 v1, v3;
	_ =	sdelay $0x1  }
0x1b3: {  	s23 =	simm.s32 $0x10500  }
0x1b4: {  	[tilespmem:s23], [sflag:$0x2] =	stream.indirect_vreg.gather [hbm4b:s1+s3], $0x80, v4, vm0, $0xb8;
	[tilespmem:$0x14500] =	vst v63  }
0x1b5: {  	s19 =	simm.s32 $0x10D00  }
0x1b6: {  	[tilespmem:s19], [sflag:$0x2] =	stream.indirect_vreg.gather [hbm4b:s1+s3], $0x80, v3, vm0, $0xb8;
	[tilespmem:$0x14500] =	vst v63  }
0x1b7: {  	v3 =	vld [tilespmem:$0x250];
	_ =	sdelay $0x4  }
0x1b8: {  	v21 =	vshll.u32 v3, $0x1  }
0x1b9: {  	v3 =	vand.u32 $0x7, v3;
	v4 =	vand.u32 $0xFFFFFFF0, v21  }
0x1ba: {  	v3 =	vor.u32 v3, v4  }
0x1bb: {  	v4 =	vperm.xlane v3, v0;
	_ =	sdelay $0x1  }
0x1bc: {  	v3 =	vperm.xlane v3, v2;
	v4 =	vadd.s32 v1, v4;
	_ =	sdelay $0x1  }
0x1bd: {  	v3 =	vadd.s32 v1, v3;
	_ =	sdelay $0x1  }
0x1be: {  	s23 =	simm.s32 $0x11500  }
0x1bf: {  	[tilespmem:s23], [sflag:$0x2] =	stream.indirect_vreg.gather [hbm4b:s1+s3], $0x80, v4, vm0, $0xb8;
	[tilespmem:$0x14500] =	vst v63  }
0x1c0: {  	s20 =	simm.s32 $0x11D00  }
0x1c1: {  	[tilespmem:s20], [sflag:$0x2] =	stream.indirect_vreg.gather [hbm4b:s1+s3], $0x80, v3, vm0, $0xb8;
	[tilespmem:$0x14500] =	vst v63  }
0x1c2: {  	v3 =	vld [tilespmem:$0x260];
	_ =	sdelay $0x4  }
0x1c3: {  	v22 =	vshll.u32 v3, $0x1  }
0x1c4: {  	v3 =	vand.u32 $0x7, v3;
	v4 =	vand.u32 $0xFFFFFFF0, v22  }
0x1c5: {  	v3 =	vor.u32 v3, v4  }
0x1c6: {  	v4 =	vperm.xlane v3, v0;
	_ =	sdelay $0x1  }
0x1c7: {  	v3 =	vperm.xlane v3, v2;
	v4 =	vadd.s32 v1, v4;
	_ =	sdelay $0x1  }
0x1c8: {  	v3 =	vadd.s32 v1, v3;
	_ =	sdelay $0x1  }
0x1c9: {  	s23 =	simm.s32 $0x12500  }
0x1ca: {  	[tilespmem:s23], [sflag:$0x2] =	stream.indirect_vreg.gather [hbm4b:s1+s3], $0x80, v4, vm0, $0xb8;
	[tilespmem:$0x14500] =	vst v63  }
0x1cb: {  	s24 =	simm.s32 $0x12D00  }
0x1cc: {  	[tilespmem:s24], [sflag:$0x2] =	stream.indirect_vreg.gather [hbm4b:s1+s3], $0x80, v3, vm0, $0xb8;
	[tilespmem:$0x14500] =	vst v63  }
0x1cd: {  	v3 =	vld [tilespmem:$0x270];
	_ =	sdelay $0x4  }
0x1ce: {  	v23 =	vshll.u32 v3, $0x1  }
0x1cf: {  	v3 =	vand.u32 $0x7, v3;
	v4 =	vand.u32 $0xFFFFFFF0, v23  }
0x1d0: {  	v3 =	vor.u32 v3, v4  }
0x1d1: {  	v4 =	vperm.xlane v3, v0;
	_ =	sdelay $0x1  }
0x1d2: {  	v3 =	vperm.xlane v3, v2;
	v4 =	vadd.s32 v1, v4;
	_ =	sdelay $0x1  }
0x1d3: {  	v3 =	vadd.s32 v1, v3;
	_ =	sdelay $0x1  }
0x1d4: {  	s24 =	simm.s32 $0x13500  }
0x1d5: {  	[tilespmem:s24], [sflag:$0x2] =	stream.indirect_vreg.gather [hbm4b:s1+s3], $0x80, v4, vm0, $0xb8;
	[tilespmem:$0x14500] =	vst v63  }
0x1d6: {  	s25 =	simm.s32 $0x13D00  }
0x1d7: {  	[tilespmem:s25], [sflag:$0x2] =	stream.indirect_vreg.gather [hbm4b:s1+s3], $0x80, v3, vm0, $0xb8;
	[tilespmem:$0x14500] =	vst v63  }
0x1d8: {  	_ =	swait.ge [sflag:s21], $0xA000  }
0x1d9: {  	[sflag:s21] =	ssyncset.done $0x0  }
0x1da: {  	s25 =	rddreg [dreg:$0x6];
	[sflag:s21] =	ssyncadd.s32 $0xFFFF6000  }
0x1db: {  	[hbm4b:s25+s3] =	stream.linear.scatter [tilespmem:s30], [sflag:$0x3], $0xA000, $0x38;
	[tilespmem:$0x14500] =	vst v63  }
0x1dc: {  	_ =	swait.ge [sflag:s6], $0xA000  }
0x1dd: {  	[sflag:s6] =	ssyncset.done $0x0  }
0x1de: {  	[sflag:s6] =	ssyncadd.s32 $0xFFFF6000  }
0x1df: {  	v3 =	vld [tilespmem:$0x280];
	_ =	sdelay $0x4  }
0x1e0: {  	v24 =	vshll.u32 v3, $0x1  }
0x1e1: {  	v3 =	vand.u32 $0x7, v3;
	v4 =	vand.u32 $0xFFFFFFF0, v24  }
0x1e2: {  	v3 =	vor.u32 v3, v4  }
0x1e3: {  	v4 =	vperm.xlane v3, v0;
	_ =	sdelay $0x1  }
0x1e4: {  	v3 =	vperm.xlane v3, v2;
	v4 =	vadd.s32 v1, v4;
	_ =	sdelay $0x1  }
0x1e5: {  	v3 =	vadd.s32 v1, v3;
	_ =	sdelay $0x2  }
0x1e6: {  	[tilespmem:s30], [sflag:$0x1] =	stream.indirect_vreg.gather [hbm4b:s1+s3], $0x80, v4, vm0, $0xb8;
	[tilespmem:$0x14500] =	vst v63  }
0x1e7: {  	s25 =	simm.s32 $0xD00  }
0x1e8: {  	[tilespmem:s25], [sflag:$0x1] =	stream.indirect_vreg.gather [hbm4b:s1+s3], $0x80, v3, vm0, $0xb8;
	[tilespmem:$0x14500] =	vst v63  }
0x1e9: {  	v3 =	vld [tilespmem:$0x290];
	_ =	sdelay $0x4  }
0x1ea: {  	v25 =	vshll.u32 v3, $0x1  }
0x1eb: {  	v3 =	vand.u32 $0x7, v3;
	v4 =	vand.u32 $0xFFFFFFF0, v25  }
0x1ec: {  	v3 =	vor.u32 v3, v4  }
0x1ed: {  	v4 =	vperm.xlane v3, v0;
	_ =	sdelay $0x1  }
0x1ee: {  	v3 =	vperm.xlane v3, v2;
	v4 =	vadd.s32 v1, v4;
	_ =	sdelay $0x1  }
0x1ef: {  	v3 =	vadd.s32 v1, v3;
	_ =	sdelay $0x1  }
0x1f0: {  	s25 =	simm.s32 $0x1500  }
0x1f1: {  	[tilespmem:s25], [sflag:$0x1] =	stream.indirect_vreg.gather [hbm4b:s1+s3], $0x80, v4, vm0, $0xb8;
	[tilespmem:$0x14500] =	vst v63  }
0x1f2: {  	s25 =	simm.s32 $0x1D00  }
0x1f3: {  	[tilespmem:s25], [sflag:$0x1] =	stream.indirect_vreg.gather [hbm4b:s1+s3], $0x80, v3, vm0, $0xb8;
	[tilespmem:$0x14500] =	vst v63  }
0x1f4: {  	v3 =	vld [tilespmem:$0x2A0];
	_ =	sdelay $0x4  }
0x1f5: {  	v26 =	vshll.u32 v3, $0x1  }
0x1f6: {  	v3 =	vand.u32 $0x7, v3;
	v4 =	vand.u32 $0xFFFFFFF0, v26  }
0x1f7: {  	v3 =	vor.u32 v3, v4  }
0x1f8: {  	v4 =	vperm.xlane v3, v0;
	_ =	sdelay $0x1  }
0x1f9: {  	v3 =	vperm.xlane v3, v2;
	v4 =	vadd.s32 v1, v4;
	_ =	sdelay $0x1  }
0x1fa: {  	v3 =	vadd.s32 v1, v3;
	_ =	sdelay $0x1  }
0x1fb: {  	s25 =	simm.s32 $0x2500  }
0x1fc: {  	[tilespmem:s25], [sflag:$0x1] =	stream.indirect_vreg.gather [hbm4b:s1+s3], $0x80, v4, vm0, $0xb8;
	[tilespmem:$0x14500] =	vst v63  }
0x1fd: {  	s25 =	simm.s32 $0x2D00  }
0x1fe: {  	[tilespmem:s25], [sflag:$0x1] =	stream.indirect_vreg.gather [hbm4b:s1+s3], $0x80, v3, vm0, $0xb8;
	[tilespmem:$0x14500] =	vst v63  }
0x1ff: {  	v3 =	vld [tilespmem:$0x2B0];
	_ =	sdelay $0x4  }
0x200: {  	v27 =	vshll.u32 v3, $0x1  }
0x201: {  	v3 =	vand.u32 $0x7, v3;
	v4 =	vand.u32 $0xFFFFFFF0, v27  }
0x202: {  	v3 =	vor.u32 v3, v4  }
0x203: {  	v4 =	vperm.xlane v3, v0;
	_ =	sdelay $0x1  }
0x204: {  	v3 =	vperm.xlane v3, v2;
	v4 =	vadd.s32 v1, v4;
	_ =	sdelay $0x1  }
0x205: {  	v3 =	vadd.s32 v1, v3;
	_ =	sdelay $0x1  }
0x206: {  	s25 =	simm.s32 $0x3500  }
0x207: {  	[tilespmem:s25], [sflag:$0x1] =	stream.indirect_vreg.gather [hbm4b:s1+s3], $0x80, v4, vm0, $0xb8;
	[tilespmem:$0x14500] =	vst v63  }
0x208: {  	s25 =	simm.s32 $0x3D00  }
0x209: {  	[tilespmem:s25], [sflag:$0x1] =	stream.indirect_vreg.gather [hbm4b:s1+s3], $0x80, v3, vm0, $0xb8;
	[tilespmem:$0x14500] =	vst v63  }
0x20a: {  	v3 =	vld [tilespmem:$0x2C0];
	_ =	sdelay $0x4  }
0x20b: {  	v28 =	vshll.u32 v3, $0x1  }
0x20c: {  	v3 =	vand.u32 $0x7, v3;
	v4 =	vand.u32 $0xFFFFFFF0, v28  }
0x20d: {  	v3 =	vor.u32 v3, v4  }
0x20e: {  	v4 =	vperm.xlane v3, v0;
	_ =	sdelay $0x1  }
0x20f: {  	v3 =	vperm.xlane v3, v2;
	v4 =	vadd.s32 v1, v4;
	_ =	sdelay $0x1  }
0x210: {  	v3 =	vadd.s32 v1, v3;
	_ =	sdelay $0x2  }
0x211: {  	[tilespmem:s4], [sflag:$0x1] =	stream.indirect_vreg.gather [hbm4b:s1+s3], $0x80, v4, vm0, $0xb8;
	[tilespmem:$0x14500] =	vst v63  }
0x212: {  	s25 =	simm.s32 $0x4D00  }
0x213: {  	[tilespmem:s25], [sflag:$0x1] =	stream.indirect_vreg.gather [hbm4b:s1+s3], $0x80, v3, vm0, $0xb8;
	[tilespmem:$0x14500] =	vst v63  }
0x214: {  	v3 =	vld [tilespmem:$0x2D0];
	_ =	sdelay $0x4  }
0x215: {  	v29 =	vshll.u32 v3, $0x1  }
0x216: {  	v3 =	vand.u32 $0x7, v3;
	v4 =	vand.u32 $0xFFFFFFF0, v29  }
0x217: {  	v3 =	vor.u32 v3, v4  }
0x218: {  	v4 =	vperm.xlane v3, v0;
	_ =	sdelay $0x1  }
0x219: {  	v3 =	vperm.xlane v3, v2;
	v4 =	vadd.s32 v1, v4;
	_ =	sdelay $0x1  }
0x21a: {  	v3 =	vadd.s32 v1, v3;
	_ =	sdelay $0x2  }
0x21b: {  	[tilespmem:s7], [sflag:$0x1] =	stream.indirect_vreg.gather [hbm4b:s1+s3], $0x80, v4, vm0, $0xb8;
	[tilespmem:$0x14500] =	vst v63  }
0x21c: {  	_ = 	snop  }
0x21d: {  	[tilespmem:s12], [sflag:$0x1] =	stream.indirect_vreg.gather [hbm4b:s1+s3], $0x80, v3, vm0, $0xb8;
	[tilespmem:$0x14500] =	vst v63  }
0x21e: {  	v3 =	vld [tilespmem:$0x2E0];
	_ =	sdelay $0x4  }
0x21f: {  	v30 =	vshll.u32 v3, $0x1  }
0x220: {  	v3 =	vand.u32 $0x7, v3;
	v4 =	vand.u32 $0xFFFFFFF0, v30  }
0x221: {  	v3 =	vor.u32 v3, v4  }
0x222: {  	v4 =	vperm.xlane v3, v0;
	_ =	sdelay $0x1  }
0x223: {  	v3 =	vperm.xlane v3, v2;
	v4 =	vadd.s32 v1, v4;
	_ =	sdelay $0x1  }
0x224: {  	v3 =	vadd.s32 v1, v3;
	_ =	sdelay $0x2  }
0x225: {  	[tilespmem:s8], [sflag:$0x1] =	stream.indirect_vreg.gather [hbm4b:s1+s3], $0x80, v4, vm0, $0xb8;
	[tilespmem:$0x14500] =	vst v63  }
0x226: {  	_ = 	snop  }
0x227: {  	[tilespmem:s13], [sflag:$0x1] =	stream.indirect_vreg.gather [hbm4b:s1+s3], $0x80, v3, vm0, $0xb8;
	[tilespmem:$0x14500] =	vst v63  }
0x228: {  	v3 =	vld [tilespmem:$0x2F0];
	_ =	sdelay $0x4  }
0x229: {  	v31 =	vshll.u32 v3, $0x1  }
0x22a: {  	v3 =	vand.u32 $0x7, v3;
	v4 =	vand.u32 $0xFFFFFFF0, v31  }
0x22b: {  	v3 =	vor.u32 v3, v4  }
0x22c: {  	v4 =	vperm.xlane v3, v0;
	_ =	sdelay $0x1  }
0x22d: {  	v3 =	vperm.xlane v3, v2;
	v4 =	vadd.s32 v1, v4;
	_ =	sdelay $0x1  }
0x22e: {  	v3 =	vadd.s32 v1, v3;
	_ =	sdelay $0x2  }
0x22f: {  	[tilespmem:s9], [sflag:$0x1] =	stream.indirect_vreg.gather [hbm4b:s1+s3], $0x80, v4, vm0, $0xb8;
	[tilespmem:$0x14500] =	vst v63  }
0x230: {  	_ = 	snop  }
0x231: {  	[tilespmem:s14], [sflag:$0x1] =	stream.indirect_vreg.gather [hbm4b:s1+s3], $0x80, v3, vm0, $0xb8;
	[tilespmem:$0x14500] =	vst v63  }
0x232: {  	v3 =	vld [tilespmem:$0x300];
	_ =	sdelay $0x4  }
0x233: {  	v32 =	vshll.u32 v3, $0x1  }
0x234: {  	v3 =	vand.u32 $0x7, v3;
	v4 =	vand.u32 $0xFFFFFFF0, v32  }
0x235: {  	v3 =	vor.u32 v3, v4  }
0x236: {  	v4 =	vperm.xlane v3, v0;
	_ =	sdelay $0x1  }
0x237: {  	v3 =	vperm.xlane v3, v2;
	v4 =	vadd.s32 v1, v4;
	_ =	sdelay $0x1  }
0x238: {  	v3 =	vadd.s32 v1, v3;
	_ =	sdelay $0x2  }
0x239: {  	[tilespmem:s10], [sflag:$0x1] =	stream.indirect_vreg.gather [hbm4b:s1+s3], $0x80, v4, vm0, $0xb8;
	[tilespmem:$0x14500] =	vst v63  }
0x23a: {  	_ = 	snop  }
0x23b: {  	[tilespmem:s15], [sflag:$0x1] =	stream.indirect_vreg.gather [hbm4b:s1+s3], $0x80, v3, vm0, $0xb8;
	[tilespmem:$0x14500] =	vst v63  }
0x23c: {  	v3 =	vld [tilespmem:$0x310];
	_ =	sdelay $0x4  }
0x23d: {  	v33 =	vshll.u32 v3, $0x1  }
0x23e: {  	v3 =	vand.u32 $0x7, v3;
	v4 =	vand.u32 $0xFFFFFFF0, v33  }
0x23f: {  	v3 =	vor.u32 v3, v4  }
0x240: {  	v4 =	vperm.xlane v3, v0;
	_ =	sdelay $0x1  }
0x241: {  	v3 =	vperm.xlane v3, v2;
	v4 =	vadd.s32 v1, v4;
	_ =	sdelay $0x1  }
0x242: {  	v3 =	vadd.s32 v1, v3;
	_ =	sdelay $0x2  }
0x243: {  	[tilespmem:s11], [sflag:$0x1] =	stream.indirect_vreg.gather [hbm4b:s1+s3], $0x80, v4, vm0, $0xb8;
	[tilespmem:$0x14500] =	vst v63  }
0x244: {  	_ = 	snop  }
0x245: {  	[tilespmem:s16], [sflag:$0x1] =	stream.indirect_vreg.gather [hbm4b:s1+s3], $0x80, v3, vm0, $0xb8;
	[tilespmem:$0x14500] =	vst v63  }
0x246: {  	_ =	swait.ge [sflag:s22], $0xA000  }
0x247: {  	[sflag:s22] =	ssyncset.done $0x0  }
0x248: {  	s25 =	rddreg [dreg:$0x7];
	[sflag:s22] =	ssyncadd.s32 $0xFFFF6000  }
0x249: {  	[hbm4b:s25+s3] =	stream.linear.scatter [tilespmem:s28], [sflag:$0x3], $0xA000, $0x38;
	[tilespmem:$0x14500] =	vst v63  }
0x24a: {  	_ =	swait.ge [sflag:s6], $0xA000  }
0x24b: {  	[sflag:s6] =	ssyncset.done $0x0  }
0x24c: {  	[sflag:s6] =	ssyncadd.s32 $0xFFFF6000  }
0x24d: {  	v3 =	vld [tilespmem:$0x320];
	_ =	sdelay $0x4  }
0x24e: {  	v34 =	vshll.u32 v3, $0x1  }
0x24f: {  	v3 =	vand.u32 $0x7, v3;
	v4 =	vand.u32 $0xFFFFFFF0, v34  }
0x250: {  	v3 =	vor.u32 v3, v4  }
0x251: {  	v4 =	vperm.xlane v3, v0;
	_ =	sdelay $0x1  }
0x252: {  	v3 =	vperm.xlane v3, v2;
	v4 =	vadd.s32 v1, v4;
	_ =	sdelay $0x1  }
0x253: {  	v3 =	vadd.s32 v1, v3;
	_ =	sdelay $0x2  }
0x254: {  	[tilespmem:s28], [sflag:$0x2] =	stream.indirect_vreg.gather [hbm4b:s1+s3], $0x80, v4, vm0, $0xb8;
	[tilespmem:$0x14500] =	vst v63  }
0x255: {  	_ = 	snop  }
0x256: {  	[tilespmem:s2], [sflag:$0x2] =	stream.indirect_vreg.gather [hbm4b:s1+s3], $0x80, v3, vm0, $0xb8;
	[tilespmem:$0x14500] =	vst v63  }
0x257: {  	v3 =	vld [tilespmem:$0x330];
	_ =	sdelay $0x4  }
0x258: {  	v35 =	vshll.u32 v3, $0x1  }
0x259: {  	v3 =	vand.u32 $0x7, v3;
	v4 =	vand.u32 $0xFFFFFFF0, v35  }
0x25a: {  	v3 =	vor.u32 v3, v4  }
0x25b: {  	v4 =	vperm.xlane v3, v0;
	_ =	sdelay $0x1  }
0x25c: {  	v3 =	vperm.xlane v3, v2;
	v4 =	vadd.s32 v1, v4;
	_ =	sdelay $0x1  }
0x25d: {  	v3 =	vadd.s32 v1, v3;
	_ =	sdelay $0x2  }
0x25e: {  	[tilespmem:s0], [sflag:$0x2] =	stream.indirect_vreg.gather [hbm4b:s1+s3], $0x80, v4, vm0, $0xb8;
	[tilespmem:$0x14500] =	vst v63  }
0x25f: {  	s25 =	simm.s32 $0xBD00  }
0x260: {  	[tilespmem:s25], [sflag:$0x2] =	stream.indirect_vreg.gather [hbm4b:s1+s3], $0x80, v3, vm0, $0xb8;
	[tilespmem:$0x14500] =	vst v63  }
0x261: {  	v3 =	vld [tilespmem:$0x340];
	_ =	sdelay $0x4  }
0x262: {  	v36 =	vshll.u32 v3, $0x1  }
0x263: {  	v3 =	vand.u32 $0x7, v3;
	v4 =	vand.u32 $0xFFFFFFF0, v36  }
0x264: {  	v3 =	vor.u32 v3, v4  }
0x265: {  	v4 =	vperm.xlane v3, v0;
	_ =	sdelay $0x1  }
0x266: {  	v3 =	vperm.xlane v3, v2;
	v4 =	vadd.s32 v1, v4;
	_ =	sdelay $0x1  }
0x267: {  	v3 =	vadd.s32 v1, v3;
	_ =	sdelay $0x1  }
0x268: {  	s29 =	simm.s32 $0xC500  }
0x269: {  	[tilespmem:s29], [sflag:$0x2] =	stream.indirect_vreg.gather [hbm4b:s1+s3], $0x80, v4, vm0, $0xb8;
	[tilespmem:$0x14500] =	vst v63  }
0x26a: {  	s29 =	simm.s32 $0xCD00  }
0x26b: {  	[tilespmem:s29], [sflag:$0x2] =	stream.indirect_vreg.gather [hbm4b:s1+s3], $0x80, v3, vm0, $0xb8;
	[tilespmem:$0x14500] =	vst v63  }
0x26c: {  	v3 =	vld [tilespmem:$0x350];
	_ =	sdelay $0x4  }
0x26d: {  	v37 =	vshll.u32 v3, $0x1  }
0x26e: {  	v3 =	vand.u32 $0x7, v3;
	v4 =	vand.u32 $0xFFFFFFF0, v37  }
0x26f: {  	v3 =	vor.u32 v3, v4  }
0x270: {  	v4 =	vperm.xlane v3, v0;
	_ =	sdelay $0x1  }
0x271: {  	v3 =	vperm.xlane v3, v2;
	v4 =	vadd.s32 v1, v4;
	_ =	sdelay $0x1  }
0x272: {  	v3 =	vadd.s32 v1, v3;
	_ =	sdelay $0x1  }
0x273: {  	s26 =	simm.s32 $0xD500  }
0x274: {  	[tilespmem:s26], [sflag:$0x2] =	stream.indirect_vreg.gather [hbm4b:s1+s3], $0x80, v4, vm0, $0xb8;
	[tilespmem:$0x14500] =	vst v63  }
0x275: {  	s26 =	simm.s32 $0xDD00  }
0x276: {  	[tilespmem:s26], [sflag:$0x2] =	stream.indirect_vreg.gather [hbm4b:s1+s3], $0x80, v3, vm0, $0xb8;
	[tilespmem:$0x14500] =	vst v63  }
0x277: {  	v3 =	vld [tilespmem:$0x360];
	_ =	sdelay $0x4  }
0x278: {  	v38 =	vshll.u32 v3, $0x1  }
0x279: {  	v3 =	vand.u32 $0x7, v3;
	v4 =	vand.u32 $0xFFFFFFF0, v38  }
0x27a: {  	v3 =	vor.u32 v3, v4  }
0x27b: {  	v4 =	vperm.xlane v3, v0;
	_ =	sdelay $0x1  }
0x27c: {  	v3 =	vperm.xlane v3, v2;
	v4 =	vadd.s32 v1, v4;
	_ =	sdelay $0x1  }
0x27d: {  	v3 =	vadd.s32 v1, v3;
	_ =	sdelay $0x1  }
0x27e: {  	s31 =	simm.s32 $0xE500  }
0x27f: {  	[tilespmem:s31], [sflag:$0x2] =	stream.indirect_vreg.gather [hbm4b:s1+s3], $0x80, v4, vm0, $0xb8;
	[tilespmem:$0x14500] =	vst v63  }
0x280: {  	s31 =	simm.s32 $0xED00  }
0x281: {  	[tilespmem:s31], [sflag:$0x2] =	stream.indirect_vreg.gather [hbm4b:s1+s3], $0x80, v3, vm0, $0xb8;
	[tilespmem:$0x14500] =	vst v63  }
0x282: {  	v3 =	vld [tilespmem:$0x370];
	_ =	sdelay $0x4  }
0x283: {  	v39 =	vshll.u32 v3, $0x1  }
0x284: {  	v3 =	vand.u32 $0x7, v3;
	v4 =	vand.u32 $0xFFFFFFF0, v39  }
0x285: {  	v3 =	vor.u32 v3, v4  }
0x286: {  	v4 =	vperm.xlane v3, v0;
	_ =	sdelay $0x1  }
0x287: {  	v3 =	vperm.xlane v3, v2;
	v4 =	vadd.s32 v1, v4;
	_ =	sdelay $0x1  }
0x288: {  	v3 =	vadd.s32 v1, v3;
	_ =	sdelay $0x1  }
0x289: {  	s17 =	simm.s32 $0xF500  }
0x28a: {  	[tilespmem:s17], [sflag:$0x2] =	stream.indirect_vreg.gather [hbm4b:s1+s3], $0x80, v4, vm0, $0xb8;
	[tilespmem:$0x14500] =	vst v63  }
0x28b: {  	s23 =	simm.s32 $0xFD00  }
0x28c: {  	[tilespmem:s23], [sflag:$0x2] =	stream.indirect_vreg.gather [hbm4b:s1+s3], $0x80, v3, vm0, $0xb8;
	[tilespmem:$0x14500] =	vst v63  }
0x28d: {  	v3 =	vld [tilespmem:$0x380];
	_ =	sdelay $0x4  }
0x28e: {  	v40 =	vshll.u32 v3, $0x1  }
0x28f: {  	v3 =	vand.u32 $0x7, v3;
	v4 =	vand.u32 $0xFFFFFFF0, v40  }
0x290: {  	v3 =	vor.u32 v3, v4  }
0x291: {  	v4 =	vperm.xlane v3, v0;
	_ =	sdelay $0x1  }
0x292: {  	v3 =	vperm.xlane v3, v2;
	v4 =	vadd.s32 v1, v4;
	_ =	sdelay $0x1  }
0x293: {  	v3 =	vadd.s32 v1, v3;
	_ =	sdelay $0x1  }
0x294: {  	s18 =	simm.s32 $0x10500  }
0x295: {  	[tilespmem:s18], [sflag:$0x2] =	stream.indirect_vreg.gather [hbm4b:s1+s3], $0x80, v4, vm0, $0xb8;
	[tilespmem:$0x14500] =	vst v63  }
0x296: {  	s23 =	simm.s32 $0x10D00  }
0x297: {  	[tilespmem:s23], [sflag:$0x2] =	stream.indirect_vreg.gather [hbm4b:s1+s3], $0x80, v3, vm0, $0xb8;
	[tilespmem:$0x14500] =	vst v63  }
0x298: {  	v3 =	vld [tilespmem:$0x390];
	_ =	sdelay $0x4  }
0x299: {  	v41 =	vshll.u32 v3, $0x1  }
0x29a: {  	v3 =	vand.u32 $0x7, v3;
	v4 =	vand.u32 $0xFFFFFFF0, v41  }
0x29b: {  	v3 =	vor.u32 v3, v4  }
0x29c: {  	v4 =	vperm.xlane v3, v0;
	_ =	sdelay $0x1  }
0x29d: {  	v3 =	vperm.xlane v3, v2;
	v4 =	vadd.s32 v1, v4;
	_ =	sdelay $0x1  }
0x29e: {  	v3 =	vadd.s32 v1, v3;
	_ =	sdelay $0x1  }
0x29f: {  	s19 =	simm.s32 $0x11500  }
0x2a0: {  	[tilespmem:s19], [sflag:$0x2] =	stream.indirect_vreg.gather [hbm4b:s1+s3], $0x80, v4, vm0, $0xb8;
	[tilespmem:$0x14500] =	vst v63  }
0x2a1: {  	s23 =	simm.s32 $0x11D00  }
0x2a2: {  	[tilespmem:s23], [sflag:$0x2] =	stream.indirect_vreg.gather [hbm4b:s1+s3], $0x80, v3, vm0, $0xb8;
	[tilespmem:$0x14500] =	vst v63  }
0x2a3: {  	v3 =	vld [tilespmem:$0x3A0];
	_ =	sdelay $0x4  }
0x2a4: {  	v42 =	vshll.u32 v3, $0x1  }
0x2a5: {  	v3 =	vand.u32 $0x7, v3;
	v4 =	vand.u32 $0xFFFFFFF0, v42  }
0x2a6: {  	v3 =	vor.u32 v3, v4  }
0x2a7: {  	v4 =	vperm.xlane v3, v0;
	_ =	sdelay $0x1  }
0x2a8: {  	v3 =	vperm.xlane v3, v2;
	v4 =	vadd.s32 v1, v4;
	_ =	sdelay $0x1  }
0x2a9: {  	v3 =	vadd.s32 v1, v3;
	_ =	sdelay $0x1  }
0x2aa: {  	s20 =	simm.s32 $0x12500  }
0x2ab: {  	[tilespmem:s20], [sflag:$0x2] =	stream.indirect_vreg.gather [hbm4b:s1+s3], $0x80, v4, vm0, $0xb8;
	[tilespmem:$0x14500] =	vst v63  }
0x2ac: {  	s23 =	simm.s32 $0x12D00  }
0x2ad: {  	[tilespmem:s23], [sflag:$0x2] =	stream.indirect_vreg.gather [hbm4b:s1+s3], $0x80, v3, vm0, $0xb8;
	[tilespmem:$0x14500] =	vst v63  }
0x2ae: {  	v3 =	vld [tilespmem:$0x3B0];
	_ =	sdelay $0x4  }
0x2af: {  	v43 =	vshll.u32 v3, $0x1  }
0x2b0: {  	v3 =	vand.u32 $0x7, v3;
	v4 =	vand.u32 $0xFFFFFFF0, v43  }
0x2b1: {  	v3 =	vor.u32 v3, v4  }
0x2b2: {  	v4 =	vperm.xlane v3, v0;
	_ =	sdelay $0x1  }
0x2b3: {  	v3 =	vperm.xlane v3, v2;
	v4 =	vadd.s32 v1, v4;
	_ =	sdelay $0x1  }
0x2b4: {  	v3 =	vadd.s32 v1, v3;
	_ =	sdelay $0x1  }
0x2b5: {  	s24 =	simm.s32 $0x13500  }
0x2b6: {  	[tilespmem:s24], [sflag:$0x2] =	stream.indirect_vreg.gather [hbm4b:s1+s3], $0x80, v4, vm0, $0xb8;
	[tilespmem:$0x14500] =	vst v63  }
0x2b7: {  	s24 =	simm.s32 $0x13D00  }
0x2b8: {  	[tilespmem:s24], [sflag:$0x2] =	stream.indirect_vreg.gather [hbm4b:s1+s3], $0x80, v3, vm0, $0xb8;
	[tilespmem:$0x14500] =	vst v63  }
0x2b9: {  	_ =	swait.ge [sflag:s21], $0xA000  }
0x2ba: {  	[sflag:s21] =	ssyncset.done $0x0  }
0x2bb: {  	s23 =	rddreg [dreg:$0x8];
	[sflag:s21] =	ssyncadd.s32 $0xFFFF6000  }
0x2bc: {  	[hbm4b:s23+s3] =	stream.linear.scatter [tilespmem:s30], [sflag:$0x3], $0xA000, $0x38;
	[tilespmem:$0x14500] =	vst v63  }
0x2bd: {  	_ =	swait.ge [sflag:s6], $0xA000  }
0x2be: {  	[sflag:s6] =	ssyncset.done $0x0  }
0x2bf: {  	[sflag:s6] =	ssyncadd.s32 $0xFFFF6000  }
0x2c0: {  	v3 =	vld [tilespmem:$0x3C0];
	_ =	sdelay $0x4  }
0x2c1: {  	v44 =	vshll.u32 v3, $0x1  }
0x2c2: {  	v3 =	vand.u32 $0x7, v3;
	v4 =	vand.u32 $0xFFFFFFF0, v44  }
0x2c3: {  	v3 =	vor.u32 v3, v4  }
0x2c4: {  	v4 =	vperm.xlane v3, v0;
	_ =	sdelay $0x1  }
0x2c5: {  	v3 =	vperm.xlane v3, v2;
	v4 =	vadd.s32 v1, v4;
	_ =	sdelay $0x1  }
0x2c6: {  	v3 =	vadd.s32 v1, v3;
	_ =	sdelay $0x2  }
0x2c7: {  	[tilespmem:s30], [sflag:$0x1] =	stream.indirect_vreg.gather [hbm4b:s1+s3], $0x80, v4, vm0, $0xb8;
	[tilespmem:$0x14500] =	vst v63  }
0x2c8: {  	s23 =	simm.s32 $0xD00  }
0x2c9: {  	[tilespmem:s23], [sflag:$0x1] =	stream.indirect_vreg.gather [hbm4b:s1+s3], $0x80, v3, vm0, $0xb8;
	[tilespmem:$0x14500] =	vst v63  }
0x2ca: {  	v3 =	vld [tilespmem:$0x3D0];
	_ =	sdelay $0x4  }
0x2cb: {  	v45 =	vshll.u32 v3, $0x1  }
0x2cc: {  	v3 =	vand.u32 $0x7, v3;
	v4 =	vand.u32 $0xFFFFFFF0, v45  }
0x2cd: {  	v3 =	vor.u32 v3, v4  }
0x2ce: {  	v4 =	vperm.xlane v3, v0;
	_ =	sdelay $0x1  }
0x2cf: {  	v3 =	vperm.xlane v3, v2;
	v4 =	vadd.s32 v1, v4;
	_ =	sdelay $0x1  }
0x2d0: {  	v3 =	vadd.s32 v1, v3;
	_ =	sdelay $0x1  }
0x2d1: {  	s23 =	simm.s32 $0x1500  }
0x2d2: {  	[tilespmem:s23], [sflag:$0x1] =	stream.indirect_vreg.gather [hbm4b:s1+s3], $0x80, v4, vm0, $0xb8;
	[tilespmem:$0x14500] =	vst v63  }
0x2d3: {  	s23 =	simm.s32 $0x1D00  }
0x2d4: {  	[tilespmem:s23], [sflag:$0x1] =	stream.indirect_vreg.gather [hbm4b:s1+s3], $0x80, v3, vm0, $0xb8;
	[tilespmem:$0x14500] =	vst v63  }
0x2d5: {  	v3 =	vld [tilespmem:$0x3E0];
	_ =	sdelay $0x4  }
0x2d6: {  	v46 =	vshll.u32 v3, $0x1  }
0x2d7: {  	v3 =	vand.u32 $0x7, v3;
	v4 =	vand.u32 $0xFFFFFFF0, v46  }
0x2d8: {  	v3 =	vor.u32 v3, v4  }
0x2d9: {  	v4 =	vperm.xlane v3, v0;
	_ =	sdelay $0x1  }
0x2da: {  	v3 =	vperm.xlane v3, v2;
	v4 =	vadd.s32 v1, v4;
	_ =	sdelay $0x1  }
0x2db: {  	v3 =	vadd.s32 v1, v3;
	_ =	sdelay $0x1  }
0x2dc: {  	s23 =	simm.s32 $0x2500  }
0x2dd: {  	[tilespmem:s23], [sflag:$0x1] =	stream.indirect_vreg.gather [hbm4b:s1+s3], $0x80, v4, vm0, $0xb8;
	[tilespmem:$0x14500] =	vst v63  }
0x2de: {  	s23 =	simm.s32 $0x2D00  }
0x2df: {  	[tilespmem:s23], [sflag:$0x1] =	stream.indirect_vreg.gather [hbm4b:s1+s3], $0x80, v3, vm0, $0xb8;
	[tilespmem:$0x14500] =	vst v63  }
0x2e0: {  	v3 =	vld [tilespmem:$0x3F0];
	_ =	sdelay $0x4  }
0x2e1: {  	v47 =	vshll.u32 v3, $0x1  }
0x2e2: {  	v3 =	vand.u32 $0x7, v3;
	v4 =	vand.u32 $0xFFFFFFF0, v47  }
0x2e3: {  	v3 =	vor.u32 v3, v4  }
0x2e4: {  	v4 =	vperm.xlane v3, v0;
	_ =	sdelay $0x1  }
0x2e5: {  	v3 =	vperm.xlane v3, v2;
	v4 =	vadd.s32 v1, v4;
	_ =	sdelay $0x1  }
0x2e6: {  	v3 =	vadd.s32 v1, v3;
	_ =	sdelay $0x1  }
0x2e7: {  	s23 =	simm.s32 $0x3500  }
0x2e8: {  	[tilespmem:s23], [sflag:$0x1] =	stream.indirect_vreg.gather [hbm4b:s1+s3], $0x80, v4, vm0, $0xb8;
	[tilespmem:$0x14500] =	vst v63  }
0x2e9: {  	s23 =	simm.s32 $0x3D00  }
0x2ea: {  	[tilespmem:s23], [sflag:$0x1] =	stream.indirect_vreg.gather [hbm4b:s1+s3], $0x80, v3, vm0, $0xb8;
	[tilespmem:$0x14500] =	vst v63  }
0x2eb: {  	v3 =	vld [tilespmem:$0x400];
	_ =	sdelay $0x4  }
0x2ec: {  	v48 =	vshll.u32 v3, $0x1  }
0x2ed: {  	v3 =	vand.u32 $0x7, v3;
	v4 =	vand.u32 $0xFFFFFFF0, v48  }
0x2ee: {  	v3 =	vor.u32 v3, v4  }
0x2ef: {  	v4 =	vperm.xlane v3, v0;
	_ =	sdelay $0x1  }
0x2f0: {  	v3 =	vperm.xlane v3, v2;
	v4 =	vadd.s32 v1, v4;
	_ =	sdelay $0x1  }
0x2f1: {  	v3 =	vadd.s32 v1, v3;
	_ =	sdelay $0x1  }
0x2f2: {  	s4 =	simm.s32 $0x4500  }
0x2f3: {  	[tilespmem:s4], [sflag:$0x1] =	stream.indirect_vreg.gather [hbm4b:s1+s3], $0x80, v4, vm0, $0xb8;
	[tilespmem:$0x14500] =	vst v63  }
0x2f4: {  	s23 =	simm.s32 $0x4D00  }
0x2f5: {  	[tilespmem:s23], [sflag:$0x1] =	stream.indirect_vreg.gather [hbm4b:s1+s3], $0x80, v3, vm0, $0xb8;
	[tilespmem:$0x14500] =	vst v63  }
0x2f6: {  	v3 =	vld [tilespmem:$0x410];
	_ =	sdelay $0x4  }
0x2f7: {  	v49 =	vshll.u32 v3, $0x1  }
0x2f8: {  	v3 =	vand.u32 $0x7, v3;
	v4 =	vand.u32 $0xFFFFFFF0, v49  }
0x2f9: {  	v3 =	vor.u32 v3, v4  }
0x2fa: {  	v4 =	vperm.xlane v3, v0;
	_ =	sdelay $0x1  }
0x2fb: {  	v3 =	vperm.xlane v3, v2;
	v4 =	vadd.s32 v1, v4;
	_ =	sdelay $0x1  }
0x2fc: {  	v3 =	vadd.s32 v1, v3;
	_ =	sdelay $0x1  }
0x2fd: {  	s7 =	simm.s32 $0x5500  }
0x2fe: {  	[tilespmem:s7], [sflag:$0x1] =	stream.indirect_vreg.gather [hbm4b:s1+s3], $0x80, v4, vm0, $0xb8;
	[tilespmem:$0x14500] =	vst v63  }
0x2ff: {  	s12 =	simm.s32 $0x5D00  }
0x300: {  	[tilespmem:s12], [sflag:$0x1] =	stream.indirect_vreg.gather [hbm4b:s1+s3], $0x80, v3, vm0, $0xb8;
	[tilespmem:$0x14500] =	vst v63  }
0x301: {  	v3 =	vld [tilespmem:$0x420];
	_ =	sdelay $0x4  }
0x302: {  	v50 =	vshll.u32 v3, $0x1  }
0x303: {  	v3 =	vand.u32 $0x7, v3;
	v4 =	vand.u32 $0xFFFFFFF0, v50  }
0x304: {  	v3 =	vor.u32 v3, v4  }
0x305: {  	v4 =	vperm.xlane v3, v0;
	_ =	sdelay $0x1  }
0x306: {  	v3 =	vperm.xlane v3, v2;
	v4 =	vadd.s32 v1, v4;
	_ =	sdelay $0x1  }
0x307: {  	v3 =	vadd.s32 v1, v3;
	_ =	sdelay $0x1  }
0x308: {  	s8 =	simm.s32 $0x6500  }
0x309: {  	[tilespmem:s8], [sflag:$0x1] =	stream.indirect_vreg.gather [hbm4b:s1+s3], $0x80, v4, vm0, $0xb8;
	[tilespmem:$0x14500] =	vst v63  }
0x30a: {  	s13 =	simm.s32 $0x6D00  }
0x30b: {  	[tilespmem:s13], [sflag:$0x1] =	stream.indirect_vreg.gather [hbm4b:s1+s3], $0x80, v3, vm0, $0xb8;
	[tilespmem:$0x14500] =	vst v63  }
0x30c: {  	v3 =	vld [tilespmem:$0x430];
	_ =	sdelay $0x4  }
0x30d: {  	v51 =	vshll.u32 v3, $0x1  }
0x30e: {  	v3 =	vand.u32 $0x7, v3;
	v4 =	vand.u32 $0xFFFFFFF0, v51  }
0x30f: {  	v3 =	vor.u32 v3, v4  }
0x310: {  	v4 =	vperm.xlane v3, v0;
	_ =	sdelay $0x1  }
0x311: {  	v3 =	vperm.xlane v3, v2;
	v4 =	vadd.s32 v1, v4;
	_ =	sdelay $0x1  }
0x312: {  	v3 =	vadd.s32 v1, v3;
	_ =	sdelay $0x1  }
0x313: {  	s9 =	simm.s32 $0x7500  }
0x314: {  	[tilespmem:s9], [sflag:$0x1] =	stream.indirect_vreg.gather [hbm4b:s1+s3], $0x80, v4, vm0, $0xb8;
	[tilespmem:$0x14500] =	vst v63  }
0x315: {  	s14 =	simm.s32 $0x7D00  }
0x316: {  	[tilespmem:s14], [sflag:$0x1] =	stream.indirect_vreg.gather [hbm4b:s1+s3], $0x80, v3, vm0, $0xb8;
	[tilespmem:$0x14500] =	vst v63  }
0x317: {  	v3 =	vld [tilespmem:$0x440];
	_ =	sdelay $0x4  }
0x318: {  	v52 =	vshll.u32 v3, $0x1  }
0x319: {  	v3 =	vand.u32 $0x7, v3;
	v4 =	vand.u32 $0xFFFFFFF0, v52  }
0x31a: {  	v3 =	vor.u32 v3, v4  }
0x31b: {  	v4 =	vperm.xlane v3, v0;
	_ =	sdelay $0x1  }
0x31c: {  	v3 =	vperm.xlane v3, v2;
	v4 =	vadd.s32 v1, v4;
	_ =	sdelay $0x1  }
0x31d: {  	v3 =	vadd.s32 v1, v3;
	_ =	sdelay $0x1  }
0x31e: {  	s10 =	simm.s32 $0x8500  }
0x31f: {  	[tilespmem:s10], [sflag:$0x1] =	stream.indirect_vreg.gather [hbm4b:s1+s3], $0x80, v4, vm0, $0xb8;
	[tilespmem:$0x14500] =	vst v63  }
0x320: {  	s15 =	simm.s32 $0x8D00  }
0x321: {  	[tilespmem:s15], [sflag:$0x1] =	stream.indirect_vreg.gather [hbm4b:s1+s3], $0x80, v3, vm0, $0xb8;
	[tilespmem:$0x14500] =	vst v63  }
0x322: {  	v3 =	vld [tilespmem:$0x450];
	_ =	sdelay $0x4  }
0x323: {  	v53 =	vshll.u32 v3, $0x1  }
0x324: {  	v3 =	vand.u32 $0x7, v3;
	v4 =	vand.u32 $0xFFFFFFF0, v53  }
0x325: {  	v3 =	vor.u32 v3, v4  }
0x326: {  	v4 =	vperm.xlane v3, v0;
	_ =	sdelay $0x1  }
0x327: {  	v3 =	vperm.xlane v3, v2;
	v4 =	vadd.s32 v1, v4;
	_ =	sdelay $0x1  }
0x328: {  	v3 =	vadd.s32 v1, v3;
	_ =	sdelay $0x1  }
0x329: {  	s11 =	simm.s32 $0x9500  }
0x32a: {  	[tilespmem:s11], [sflag:$0x1] =	stream.indirect_vreg.gather [hbm4b:s1+s3], $0x80, v4, vm0, $0xb8;
	[tilespmem:$0x14500] =	vst v63  }
0x32b: {  	s16 =	simm.s32 $0x9D00  }
0x32c: {  	[tilespmem:s16], [sflag:$0x1] =	stream.indirect_vreg.gather [hbm4b:s1+s3], $0x80, v3, vm0, $0xb8;
	[tilespmem:$0x14500] =	vst v63  }
0x32d: {  	_ =	swait.ge [sflag:s22], $0xA000  }
0x32e: {  	[sflag:s22] =	ssyncset.done $0x0  }
0x32f: {  	s11 =	rddreg [dreg:$0x9];
	[sflag:s22] =	ssyncadd.s32 $0xFFFF6000  }
0x330: {  	[hbm4b:s11+s3] =	stream.linear.scatter [tilespmem:s28], [sflag:$0x3], $0xA000, $0x38;
	[tilespmem:$0x14500] =	vst v63  }
0x331: {  	_ =	swait.ge [sflag:s6], $0xA000  }
0x332: {  	[sflag:s6] =	ssyncset.done $0x0  }
0x333: {  	[sflag:s6] =	ssyncadd.s32 $0xFFFF6000  }
0x334: {  	v3 =	vld [tilespmem:$0x460];
	_ =	sdelay $0x4  }
0x335: {  	v54 =	vshll.u32 v3, $0x1  }
0x336: {  	v3 =	vand.u32 $0x7, v3;
	v4 =	vand.u32 $0xFFFFFFF0, v54  }
0x337: {  	v3 =	vor.u32 v3, v4  }
0x338: {  	v4 =	vperm.xlane v3, v0;
	_ =	sdelay $0x1  }
0x339: {  	v3 =	vperm.xlane v3, v2;
	v4 =	vadd.s32 v1, v4;
	_ =	sdelay $0x1  }
0x33a: {  	v3 =	vadd.s32 v1, v3;
	_ =	sdelay $0x2  }
0x33b: {  	[tilespmem:s28], [sflag:$0x2] =	stream.indirect_vreg.gather [hbm4b:s1+s3], $0x80, v4, vm0, $0xb8;
	[tilespmem:$0x14500] =	vst v63  }
0x33c: {  	s2 =	simm.s32 $0xAD00  }
0x33d: {  	[tilespmem:s2], [sflag:$0x2] =	stream.indirect_vreg.gather [hbm4b:s1+s3], $0x80, v3, vm0, $0xb8;
	[tilespmem:$0x14500] =	vst v63  }
0x33e: {  	v3 =	vld [tilespmem:$0x470];
	_ =	sdelay $0x4  }
0x33f: {  	v55 =	vshll.u32 v3, $0x1  }
0x340: {  	v3 =	vand.u32 $0x7, v3;
	v4 =	vand.u32 $0xFFFFFFF0, v55  }
0x341: {  	v3 =	vor.u32 v3, v4  }
0x342: {  	v4 =	vperm.xlane v3, v0;
	_ =	sdelay $0x1  }
0x343: {  	v3 =	vperm.xlane v3, v2;
	v4 =	vadd.s32 v1, v4;
	_ =	sdelay $0x1  }
0x344: {  	v3 =	vadd.s32 v1, v3;
	_ =	sdelay $0x1  }
0x345: {  	s0 =	simm.s32 $0xB500  }
0x346: {  	[tilespmem:s0], [sflag:$0x2] =	stream.indirect_vreg.gather [hbm4b:s1+s3], $0x80, v4, vm0, $0xb8;
	[tilespmem:$0x14500] =	vst v63  }
0x347: {  	s12 =	simm.s32 $0xBD00  }
0x348: {  	[tilespmem:s12], [sflag:$0x2] =	stream.indirect_vreg.gather [hbm4b:s1+s3], $0x80, v3, vm0, $0xb8;
	[tilespmem:$0x14500] =	vst v63  }
0x349: {  	v3 =	vld [tilespmem:$0x480];
	_ =	sdelay $0x4  }
0x34a: {  	v56 =	vshll.u32 v3, $0x1  }
0x34b: {  	v3 =	vand.u32 $0x7, v3;
	v4 =	vand.u32 $0xFFFFFFF0, v56  }
0x34c: {  	v3 =	vor.u32 v3, v4  }
0x34d: {  	v4 =	vperm.xlane v3, v0;
	_ =	sdelay $0x1  }
0x34e: {  	v3 =	vperm.xlane v3, v2;
	v4 =	vadd.s32 v1, v4;
	_ =	sdelay $0x1  }
0x34f: {  	v3 =	vadd.s32 v1, v3;
	_ =	sdelay $0x1  }
0x350: {  	s25 =	simm.s32 $0xC500  }
0x351: {  	[tilespmem:s25], [sflag:$0x2] =	stream.indirect_vreg.gather [hbm4b:s1+s3], $0x80, v4, vm0, $0xb8;
	[tilespmem:$0x14500] =	vst v63  }
0x352: {  	s13 =	simm.s32 $0xCD00  }
0x353: {  	[tilespmem:s13], [sflag:$0x2] =	stream.indirect_vreg.gather [hbm4b:s1+s3], $0x80, v3, vm0, $0xb8;
	[tilespmem:$0x14500] =	vst v63  }
0x354: {  	v3 =	vld [tilespmem:$0x490];
	_ =	sdelay $0x4  }
0x355: {  	v57 =	vshll.u32 v3, $0x1  }
0x356: {  	v3 =	vand.u32 $0x7, v3;
	v4 =	vand.u32 $0xFFFFFFF0, v57  }
0x357: {  	v3 =	vor.u32 v3, v4  }
0x358: {  	v4 =	vperm.xlane v3, v0;
	_ =	sdelay $0x1  }
0x359: {  	v3 =	vperm.xlane v3, v2;
	v4 =	vadd.s32 v1, v4;
	_ =	sdelay $0x1  }
0x35a: {  	v3 =	vadd.s32 v1, v3;
	_ =	sdelay $0x1  }
0x35b: {  	s29 =	simm.s32 $0xD500  }
0x35c: {  	[tilespmem:s29], [sflag:$0x2] =	stream.indirect_vreg.gather [hbm4b:s1+s3], $0x80, v4, vm0, $0xb8;
	[tilespmem:$0x14500] =	vst v63  }
0x35d: {  	s14 =	simm.s32 $0xDD00  }
0x35e: {  	[tilespmem:s14], [sflag:$0x2] =	stream.indirect_vreg.gather [hbm4b:s1+s3], $0x80, v3, vm0, $0xb8;
	[tilespmem:$0x14500] =	vst v63  }
0x35f: {  	v3 =	vld [tilespmem:$0x4A0];
	_ =	sdelay $0x4  }
0x360: {  	v58 =	vshll.u32 v3, $0x1  }
0x361: {  	v3 =	vand.u32 $0x7, v3;
	v4 =	vand.u32 $0xFFFFFFF0, v58  }
0x362: {  	v3 =	vor.u32 v3, v4  }
0x363: {  	v4 =	vperm.xlane v3, v0;
	_ =	sdelay $0x1  }
0x364: {  	v3 =	vperm.xlane v3, v2;
	v4 =	vadd.s32 v1, v4;
	_ =	sdelay $0x1  }
0x365: {  	v3 =	vadd.s32 v1, v3;
	_ =	sdelay $0x1  }
0x366: {  	s26 =	simm.s32 $0xE500  }
0x367: {  	[tilespmem:s26], [sflag:$0x2] =	stream.indirect_vreg.gather [hbm4b:s1+s3], $0x80, v4, vm0, $0xb8;
	[tilespmem:$0x14500] =	vst v63  }
0x368: {  	s15 =	simm.s32 $0xED00  }
0x369: {  	[tilespmem:s15], [sflag:$0x2] =	stream.indirect_vreg.gather [hbm4b:s1+s3], $0x80, v3, vm0, $0xb8;
	[tilespmem:$0x14500] =	vst v63  }
0x36a: {  	v3 =	vld [tilespmem:$0x4B0];
	_ =	sdelay $0x4  }
0x36b: {  	v59 =	vshll.u32 v3, $0x1  }
0x36c: {  	v3 =	vand.u32 $0x7, v3;
	v4 =	vand.u32 $0xFFFFFFF0, v59  }
0x36d: {  	v3 =	vor.u32 v3, v4  }
0x36e: {  	v4 =	vperm.xlane v3, v0;
	_ =	sdelay $0x1  }
0x36f: {  	v3 =	vperm.xlane v3, v2;
	v4 =	vadd.s32 v1, v4;
	_ =	sdelay $0x1  }
0x370: {  	v3 =	vadd.s32 v1, v3;
	_ =	sdelay $0x1  }
0x371: {  	s31 =	simm.s32 $0xF500  }
0x372: {  	[tilespmem:s31], [sflag:$0x2] =	stream.indirect_vreg.gather [hbm4b:s1+s3], $0x80, v4, vm0, $0xb8;
	[tilespmem:$0x14500] =	vst v63  }
0x373: {  	s16 =	simm.s32 $0xFD00  }
0x374: {  	[tilespmem:s16], [sflag:$0x2] =	stream.indirect_vreg.gather [hbm4b:s1+s3], $0x80, v3, vm0, $0xb8;
	[tilespmem:$0x14500] =	vst v63  }
0x375: {  	v3 =	vld [tilespmem:$0x4C0];
	_ =	sdelay $0x4  }
0x376: {  	v60 =	vshll.u32 v3, $0x1  }
0x377: {  	v3 =	vand.u32 $0x7, v3;
	v4 =	vand.u32 $0xFFFFFFF0, v60  }
0x378: {  	v3 =	vor.u32 v3, v4  }
0x379: {  	v4 =	vperm.xlane v3, v0;
	_ =	sdelay $0x1  }
0x37a: {  	v3 =	vperm.xlane v3, v2;
	v4 =	vadd.s32 v1, v4;
	_ =	sdelay $0x1  }
0x37b: {  	v3 =	vadd.s32 v1, v3;
	_ =	sdelay $0x1  }
0x37c: {  	s17 =	simm.s32 $0x10500  }
0x37d: {  	[tilespmem:s17], [sflag:$0x2] =	stream.indirect_vreg.gather [hbm4b:s1+s3], $0x80, v4, vm0, $0xb8;
	[tilespmem:$0x14500] =	vst v63  }
0x37e: {  	s23 =	simm.s32 $0x10D00  }
0x37f: {  	[tilespmem:s23], [sflag:$0x2] =	stream.indirect_vreg.gather [hbm4b:s1+s3], $0x80, v3, vm0, $0xb8;
	[tilespmem:$0x14500] =	vst v63  }
0x380: {  	v3 =	vld [tilespmem:$0x4D0];
	_ =	sdelay $0x4  }
0x381: {  	v61 =	vshll.u32 v3, $0x1  }
0x382: {  	v3 =	vand.u32 $0x7, v3;
	v4 =	vand.u32 $0xFFFFFFF0, v61  }
0x383: {  	v3 =	vor.u32 v3, v4  }
0x384: {  	v4 =	vperm.xlane v3, v0;
	_ =	sdelay $0x1  }
0x385: {  	v3 =	vperm.xlane v3, v2;
	v4 =	vadd.s32 v1, v4;
	_ =	sdelay $0x1  }
0x386: {  	v3 =	vadd.s32 v1, v3;
	_ =	sdelay $0x1  }
0x387: {  	s18 =	simm.s32 $0x11500  }
0x388: {  	[tilespmem:s18], [sflag:$0x2] =	stream.indirect_vreg.gather [hbm4b:s1+s3], $0x80, v4, vm0, $0xb8;
	[tilespmem:$0x14500] =	vst v63  }
0x389: {  	s25 =	simm.s32 $0x11D00  }
0x38a: {  	[tilespmem:s25], [sflag:$0x2] =	stream.indirect_vreg.gather [hbm4b:s1+s3], $0x80, v3, vm0, $0xb8;
	[tilespmem:$0x14500] =	vst v63  }
0x38b: {  	v3 =	vld [tilespmem:$0x4E0];
	_ =	sdelay $0x4  }
0x38c: {  	v62 =	vshll.u32 v3, $0x1  }
0x38d: {  	v3 =	vand.u32 $0x7, v3;
	v4 =	vand.u32 $0xFFFFFFF0, v62  }
0x38e: {  	v3 =	vor.u32 v3, v4  }
0x38f: {  	v4 =	vperm.xlane v3, v0;
	_ =	sdelay $0x1  }
0x390: {  	v3 =	vperm.xlane v3, v2;
	v4 =	vadd.s32 v1, v4;
	_ =	sdelay $0x1  }
0x391: {  	v3 =	vadd.s32 v1, v3;
	_ =	sdelay $0x1  }
0x392: {  	s19 =	simm.s32 $0x12500  }
0x393: {  	[tilespmem:s19], [sflag:$0x2] =	stream.indirect_vreg.gather [hbm4b:s1+s3], $0x80, v4, vm0, $0xb8;
	[tilespmem:$0x14500] =	vst v63  }
0x394: {  	s26 =	simm.s32 $0x12D00  }
0x395: {  	[tilespmem:s26], [sflag:$0x2] =	stream.indirect_vreg.gather [hbm4b:s1+s3], $0x80, v3, vm0, $0xb8;
	[tilespmem:$0x14500] =	vst v63  }
0x396: {  	v3 =	vld [tilespmem:$0x4F0];
	_ =	sdelay $0x4  }
0x397: {  	v63 =	vshll.u32 v3, $0x1  }
0x398: {  	v3 =	vand.u32 $0x7, v3;
	v4 =	vand.u32 $0xFFFFFFF0, v63  }
0x399: {  	v3 =	vor.u32 v3, v4  }
0x39a: {  	v4 =	vperm.xlane v3, v0;
	_ =	sdelay $0x1  }
0x39b: {  	v3 =	vperm.xlane v3, v2;
	v4 =	vadd.s32 v1, v4;
	_ =	sdelay $0x1  }
0x39c: {  	v3 =	vadd.s32 v1, v3;
	_ =	sdelay $0x1  }
0x39d: {  	s20 =	simm.s32 $0x13500  }
0x39e: {  	[tilespmem:s20], [sflag:$0x2] =	stream.indirect_vreg.gather [hbm4b:s1+s3], $0x80, v4, vm0, $0xb8;
	[tilespmem:$0x14500] =	vst v63  }
0x39f: {  	s24 =	simm.s32 $0x13D00  }
0x3a0: {  	[tilespmem:s24], [sflag:$0x2] =	stream.indirect_vreg.gather [hbm4b:s1+s3], $0x80, v3, vm0, $0xb8;
	[tilespmem:$0x14500] =	vst v63  }
0x3a1: {  	_ =	swait.ge [sflag:s21], $0xA000  }
0x3a2: {  	[sflag:s21] =	ssyncset.done $0x0  }
0x3a3: {  	s29 =	rddreg [dreg:$0xa];
	[sflag:s21] =	ssyncadd.s32 $0xFFFF6000  }
0x3a4: {  	[hbm4b:s29+s3] =	stream.linear.scatter [tilespmem:s30], [sflag:$0x3], $0xA000, $0x38;
	[tilespmem:$0x14500] =	vst v63  }
0x3a5: {  	_ =	swait.ge [sflag:s6], $0xA000  }
0x3a6: {  	[sflag:s6] =	ssyncset.done $0x0  }
0x3a7: {  	[sflag:s6] =	ssyncadd.s32 $0xFFFF6000  }
0x3a8: {  	_ =	swait.ge [sflag:s22], $0xA000  }
0x3a9: {  	p0 =	sne.s32 s5, $0x1;
	[sflag:s22] =	ssyncset.done $0x0  }
.Ltmp0:
0x3aa: {  	s31 =	rddreg [dreg:$0xb];
	[sflag:s22] =	ssyncadd.s32 $0xFFFF6000;
	(pc) =	sbr.rel @p0 .LBB2_1-.Ltmp0, $4  }
0x3ab: {  	[hbm4b:s31+s3] =	stream.linear.scatter [tilespmem:s28], [sflag:$0x3], $0xA000, $0x38;
	[tilespmem:$0x14500] =	vst v63  }
0x3ac: {  	_ =	swait.ge [sflag:s6], $0xA000  }
0x3ad: {  	[sflag:s6] =	ssyncset.done $0x0  }
0x3ae: {  	s5 =	sadd.s32 $0xFFFFFFFF, s5;
	[sflag:s6] =	ssyncadd.s32 $0xFFFF6000  }
0x3af: {  	_ =	sfence.sel $0x180000  }
0x3b0: {  	[bflag:$0x0] =	sbarrier.arrive $0xFFFF  }
0x3b1: {  	_ =	strace $0x90000047  }
0x3b2: {  	s0 =	stileid.u32;
	[bflag:$0x2] =	sbarrier.arrive $0xFFFF  }
0x3b3: {  	p0 =	sne.s32 s0, $0x0;
	s0 =	rddreg [dreg:$0x3]  }
0x3b4: {  	s0 =	sadd.s32 @!p0 $0x100000, s0  }
0x3b5: {  	[sflag:s0] =	ssyncadd.tile.s32 @!p0 $0x1;
	_ =	shalt  }
.Lfunc_end2:
_tile_overlayer_lowered:
.L_overlay_start_2:
0x3b6: {  	(tag) =	ssettag $0x2  }
0x3b7: {  	s0 =	rddreg [dreg:$0x0];
	s2 =	stileid.u32  }
0x3b8: {  	s1 =	rddreg [dreg:$0x1];
	p0 =	sne.s32 s2, $0x0  }
0x3b9: {  	s3 =	rddreg [dreg:$0x2];
	[bflag:$0x3] =	sbarrier.arrive $0xFFFF;
	s2 =	simm.s32 @!p0 $0x1C03  }
0x3ba: {  	[timem:s3], [sflag:s2] =	dma.local @!p0 [hbm:s0], s1  }
0x3bb: {  	s0 =	simm.s32 @!p0 $0x3  }
0x3bc: {  	_ =	swait.ge @!p0 [sflag:s0], s1  }
0x3bd: {  	s1 =	ssub.s32 @!p0 $0x0, s1;
	[sflag:s0] =	ssyncset.done @!p0 $0x0  }
0x3be: {  	[sflag:s0] =	ssyncadd.s32 @!p0 s1  }
0x3bf: {  	[bflag:$0x3] =	sbarrier.arrive $0xFFFF  }
0x3c0: {  	_ =	shalt  }

</sc_bundles>
